<compile_context>
chip_gen: v7x
topology: tpu7x:2x2x1
jax: 0.10.2.dev20260603
libtpu: 0.0.44.dev20260713+nightly
codegen_flags: <defaults>
</compile_context>

<pallas_src>
import functools

import jax
import jax.numpy as jnp
from jax import lax
from jax.experimental import pallas as pl
from jax.experimental.pallas import tpu as pltpu
from jax.experimental.pallas import tpu_sc as plsc

_NC = 2
_NS = 16


def _make_segsum(d, k, steps0, steps1, n_acc):
    rpt = n_acc // _NS
    mesh = plsc.VectorSubcoreMesh(core_axis_name="c", subcore_axis_name="s")

    @functools.partial(
        pl.kernel,
        out_type=jax.ShapeDtypeStruct((_NC, n_acc, d), jnp.float32),
        mesh=mesh,
        compiler_params=pltpu.CompilerParams(use_tc_tiling_on_sc=False),
        scratch_types=[
            pltpu.VMEM((k,), jnp.int32),
            pltpu.VMEM((k,), jnp.int32),
            pltpu.VMEM((k, d), jnp.float32),
            pltpu.VMEM_SHARED((n_acc, d), jnp.float32),
            pltpu.SemaphoreType.DMA,
        ],
    )
    def seg(u_hbm, src_hbm, dst_hbm, zero_hbm, out_hbm,
            src_v, dst_v, rows_v, acc_sh, sem):
        c = lax.axis_index("c")
        s = lax.axis_index("s")
        base = jnp.where(c == 0, s * steps0, _NS * steps0 + s * steps1)
        n_my = jnp.where(c == 0, steps0, steps1)
        r0 = s * rpt
        pltpu.sync_copy(zero_hbm, acc_sh.at[pl.ds(r0, rpt)])
        plsc.subcore_barrier()

        @pl.loop(0, n_my)
        def _(t):
            pltpu.sync_copy(src_hbm.at[base + t], src_v)
            pltpu.sync_copy(dst_hbm.at[base + t], dst_v)
            pltpu.async_copy(u_hbm.at[src_v], rows_v, sem).wait()
            pltpu.sync_copy(rows_v, acc_sh.at[dst_v], add=True)

        plsc.subcore_barrier()
        pltpu.sync_copy(acc_sh.at[pl.ds(r0, rpt)],
                        out_hbm.at[c, pl.ds(r0, rpt)])

    return seg


def _lrelu(v):
    return jnp.where(v >= 0, v, 0.01 * v)


def _mm(a, b_t):
    return lax.dot_general(a, b_t, (((1,), (1,)), ((), ())),
                           preferred_element_type=jnp.float32)


def _layer_body(p_ref, z_ref, b_ref, wr_ref, wt_ref, zn_ref):
    zn_ref[...] = _lrelu(_mm(p_ref[0] + p_ref[1], wr_ref[...]) + b_ref[...]
                         + _mm(z_ref[...], wt_ref[...]))


def _layer_skip_body(p_ref, z_ref, b_ref, wr_ref, wt_ref, wrn_ref,
                     zs_ref, un_ref):
    zn = _lrelu(_mm(p_ref[0] + p_ref[1], wr_ref[...]) + b_ref[...]
                + _mm(z_ref[...], wt_ref[...]))
    zs = zn + z_ref[...]
    zs_ref[...] = zs
    un_ref[...] = _mm(zs, wrn_ref[...])


def _final_body(p_ref, z_ref, b_ref, wt_ref, o_ref):
    o_ref[...] = _lrelu(p_ref[0] + p_ref[1] + b_ref[...]
                        + _mm(z_ref[...], wt_ref[...]))


def _blk(shape, imap):
    return pl.BlockSpec(shape, imap)


_ROWS = 1000


def _run_layer0(parts, z, b, wr, wt):
    n, d = z.shape
    return pl.pallas_call(
        _layer_body,
        grid=(n // _ROWS,),
        in_specs=[_blk((2, _ROWS, d), lambda i: (0, i, 0)),
                  _blk((_ROWS, d), lambda i: (i, 0)),
                  _blk((1, d), lambda i: (0, 0)),
                  _blk((d, d), lambda i: (0, 0)),
                  _blk((d, d), lambda i: (0, 0))],
        out_specs=_blk((_ROWS, d), lambda i: (i, 0)),
        out_shape=jax.ShapeDtypeStruct((n, d), jnp.float32),
    )(parts, z, b.reshape(1, -1), wr, wt)


def _run_layer1(parts, z, b, wr, wt, wrn, dnext):
    n, d = z.shape
    return pl.pallas_call(
        _layer_skip_body,
        grid=(n // _ROWS,),
        in_specs=[_blk((2, _ROWS, d), lambda i: (0, i, 0)),
                  _blk((_ROWS, d), lambda i: (i, 0)),
                  _blk((1, d), lambda i: (0, 0)),
                  _blk((d, d), lambda i: (0, 0)),
                  _blk((d, d), lambda i: (0, 0)),
                  _blk((dnext, d), lambda i: (0, 0))],
        out_specs=[_blk((_ROWS, d), lambda i: (i, 0)),
                   _blk((_ROWS, dnext), lambda i: (i, 0))],
        out_shape=[jax.ShapeDtypeStruct((n, d), jnp.float32),
                   jax.ShapeDtypeStruct((n, dnext), jnp.float32)],
    )(parts, z, b.reshape(1, -1), wr, wt, wrn)


def _run_final(parts, z, b, wt):
    n, d = z.shape
    dp = parts.shape[2]
    return pl.pallas_call(
        _final_body,
        grid=(n // _ROWS,),
        in_specs=[_blk((2, _ROWS, dp), lambda i: (0, i, 0)),
                  _blk((_ROWS, d), lambda i: (i, 0)),
                  _blk((1, dp), lambda i: (0, 0)),
                  _blk((dp, d), lambda i: (0, 0))],
        out_specs=_blk((_ROWS, dp), lambda i: (i, 0)),
        out_shape=jax.ShapeDtypeStruct((n, dp), jnp.float32),
    )(parts, z, b.reshape(1, -1), wt)


@jax.jit
def kernel(x, edge_index, W_rel_0, b_rel_0, W_root_0, W_rel_1, b_rel_1,
           W_root_1, W_rel_2, b_rel_2, W_root_2):
    n = x.shape[0]
    e = edge_index.shape[1]
    n_acc = -(-(n + 1) // (_NS * 8)) * (_NS * 8)

    k128, k16 = 128, 128
    quant = 2 * _NS * max(k16, k128) * 2
    e_pad = -(-e // quant) * quant
    npad = e_pad - e

    src_flat = jnp.concatenate([edge_index[0],
                                jnp.zeros((npad,), jnp.int32)])
    dst_flat = jnp.concatenate([edge_index[1],
                                jnp.full((npad,), n_acc - 1, jnp.int32)])

    half = e_pad // (2 * _NS * k128)
    steps1 = max(1, int(2 * half * 0.45))
    steps0 = 2 * half - steps1
    srcw = src_flat.reshape(-1, k128)
    dstw = dst_flat.reshape(-1, k128)

    half16 = e_pad // (2 * _NS * k16)
    srcn = src_flat.reshape(-1, k16)
    dstn = dst_flat.reshape(-1, k16)

    zero128 = jnp.zeros((n_acc // _NS, 128), jnp.float32)
    seg128 = _make_segsum(128, k128, steps0, steps1, n_acc)

    d2 = 16
    wr2 = jnp.zeros((d2, 128), jnp.float32).at[:4].set(W_rel_2)
    wt2 = jnp.zeros((d2, 128), jnp.float32).at[:4].set(W_root_2)
    b2 = jnp.zeros((d2,), jnp.float32).at[:4].set(b_rel_2)

    p0 = seg128(x, srcw, dstw, zero128)[:, :n]
    z0 = _run_layer0(p0, x, b_rel_0, W_rel_0, W_root_0)

    p1 = seg128(z0, srcw, dstw, zero128)[:, :n]
    zs, u2 = _run_layer1(p1, z0, b_rel_1, W_rel_1, W_root_1, wr2, d2)

    zero16 = jnp.zeros((n_acc // _NS, d2), jnp.float32)
    p2 = _make_segsum(d2, k16, half16, half16, n_acc)(
        u2, srcn, dstn, zero16)[:, :n]
    out = _run_final(p2, zs, b2, wt2)
    return out[:, :4]

# --- scband reference (transcript-rebuilt; emitter-appended) ---
"""Pipeline reference for scband-protacsplitter-90211493085314 (READ-ONLY COPY).

The authoritative reference and input builder live on the scoring server;
editing this copy changes nothing except your own understanding.
"""

import jax, jax.numpy as jnp
import numpy as np

N = 10000
E = 320000
LAYER_IO = [(128, 128), (128, 128), (128, 4)]


def setup_inputs(seed: int = 0) -> dict:
    key = jax.random.key(seed)
    ks = jax.random.split(key, 2 + 3 * len(LAYER_IO))
    inp = {}
    inp['x'] = jax.random.normal(ks[0], (N, 128), dtype=jnp.float32)
    inp['edge_index'] = jax.random.randint(ks[1], (2, E), 0, N, dtype=jnp.int32)
    for l, (din, dout) in enumerate(LAYER_IO):
        scale = 1.0 / np.sqrt(din)
        inp[f'W_rel_{l}'] = jax.random.normal(ks[2 + 3 * l], (dout, din), dtype=jnp.float32) * scale
        inp[f'b_rel_{l}'] = jax.random.normal(ks[3 + 3 * l], (dout,), dtype=jnp.float32) * 0.01
        inp[f'W_root_{l}'] = jax.random.normal(ks[4 + 3 * l], (dout, din), dtype=jnp.float32) * scale
    return inp


def _leaky_relu(v):
    return jnp.where(v >= 0, v, 0.01 * v)


def reference(x, edge_index, W_rel_0, b_rel_0, W_root_0, W_rel_1, b_rel_1, W_root_1, W_rel_2, b_rel_2, W_root_2):
    # PROTACSplitter with GraphConv layers, node_pred mode, skip connections,
    # dropout p=0.0, no batch/graph norm, no edge information.
    # PyG GraphConv (aggr='add'): out = lin_rel(sum_{j in N(i)} x_j) + lin_root(x_i)
    src = edge_index[0]
    dst = edge_index[1]
    n = x.shape[0]
    params = [(W_rel_0, b_rel_0, W_root_0), (W_rel_1, b_rel_1, W_root_1), (W_rel_2, b_rel_2, W_root_2)]
    z = x
    skip = []
    for (Wr, br, Wt) in params:
        msg = z[src]                                   # gather: [E, d]
        agg = jax.ops.segment_sum(msg, dst, num_segments=n)  # scatter-add: [N, d]
        z = agg @ Wr.T + br + z @ Wt.T
        z = _leaky_relu(z)
        skip.append(z)
        # dropout p=0.0 -> identity
        if len(skip) > 1 and skip[-2].shape == z.shape:
            z = z + skip[-2]
    # model_type == 'node_pred': y_type = z, y_location = None
    return z

if __name__ == "__main__":
    import jax
    _d = setup_inputs()
    print(jax.jit(kernel)(*tuple(_d.values())))

</pallas_src>

<mosaic_0001>
#map = affine_map<(d0, d1) -> (0, 0)>
#map1 = affine_map<(d0, d1) -> (0, 0, 0)>
module attributes {stable_mosaic.version = 14 : i64} {
  func.func @seg(%arg0: i32, %arg1: i32, %arg2: memref<10000x16xf32, #tpu.memory_space<hbm>>, %arg3: memref<2560x128xi32, #tpu.memory_space<hbm>>, %arg4: memref<2560x128xi32, #tpu.memory_space<hbm>>, %arg5: memref<632x16xf32, #tpu.memory_space<hbm>>, %arg6: memref<2x10112x16xf32, #tpu.memory_space<hbm>>, %arg7: memref<128xi32, #tpu.memory_space<vmem>>, %arg8: memref<128xi32, #tpu.memory_space<vmem>>, %arg9: memref<128x16xf32, #tpu.memory_space<vmem>>, %arg10: memref<10112x16xf32, #tpu.memory_space<vmem_shared>>, %arg11: memref<!tpu.dma_semaphore, #tpu.memory_space<semaphore_mem>>) attributes {dimension_semantics = [#tpu.dimension_semantics<core_parallel>, #tpu.dimension_semantics<subcore_parallel>], iteration_bounds = array<i64: 2, 16>, scalar_prefetch = 0 : i64, scratch_operands = 5 : i64, tpu.core_type = #tpu.core_type<sc_vector_subcore>, window_params = [{transform_indices = #map}, {transform_indices = #map}, {transform_indices = #map}, {transform_indices = #map}, {transform_indices = #map1}]} {
    %eq3A = arith.constant 0 : i32
    %eq3A_0 = arith.cmpi eq, %arg0, %eq3A : i32
    %mul3A = arith.constant 80 : i32
    %mul3A_1 = arith.muli %arg1, %mul3A : i32
    %mul3A_2 = arith.constant 80 : i32
    %mul3A_3 = arith.muli %arg1, %mul3A_2 : i32
    %add3A = arith.constant 1280 : i32
    %add3A_4 = arith.addi %add3A, %mul3A_3 : i32
    %select_n3A = arith.select %eq3A_0, %mul3A_1, %add3A_4 : i32
    %eq3A_5 = arith.constant 0 : i32
    %eq3A_6 = arith.cmpi eq, %arg0, %eq3A_5 : i32
    %jit3A = arith.constant 80 : i32
    %jit3A_7 = arith.constant 80 : i32
    %select_n3A_8 = arith.select %eq3A_6, %jit3A, %jit3A_7 : i32
    %mul3A_9 = arith.constant 632 : i32
    %mul3A_10 = arith.muli %arg1, %mul3A_9 : i32
    "tpu.region"() ({
      %run_scoped3A = tpu.sem_alloc : memref<!tpu.dma_semaphore, #tpu.memory_space<semaphore_mem>>
      %dma_start3A = arith.constant 0 : i32
      %dma_start3A_28 = tpu.memref_slice %arg10[%mul3A_10, %dma_start3A] : memref<10112x16xf32, #tpu.memory_space<vmem_shared>> -> memref<632x16xf32, #tpu.memory_space<vmem_shared>>
      tpu.enqueue_dma source(%arg5 : memref<632x16xf32, #tpu.memory_space<hbm>>) target(%dma_start3A_28 : memref<632x16xf32, #tpu.memory_space<vmem_shared>>) target_semaphore(%run_scoped3A : memref<!tpu.dma_semaphore, #tpu.memory_space<semaphore_mem>>)
      %dma_wait3A = arith.constant 0 : i32
      %dma_wait3A_29 = tpu.memref_slice %arg10[%mul3A_10, %dma_wait3A] : memref<10112x16xf32, #tpu.memory_space<vmem_shared>> -> memref<632x16xf32, #tpu.memory_space<vmem_shared>>
      tpu.wait_dma2 semaphore(%run_scoped3A : memref<!tpu.dma_semaphore, #tpu.memory_space<semaphore_mem>>) src(%arg5 : memref<632x16xf32, #tpu.memory_space<hbm>>) dst(%dma_wait3A_29 : memref<632x16xf32, #tpu.memory_space<vmem_shared>>)
      tpu.yield
    }) : () -> ()
    %barrier3A = arith.constant 0 : index
    tpu.barrier barrier_id(%barrier3A)
    %sub3A = arith.constant 0 : i32
    %sub3A_11 = arith.subi %select_n3A_8, %sub3A : i32
    %sub3A_12 = arith.constant 1 : i32
    %sub3A_13 = arith.constant 1 : i32
    %sub3A_14 = arith.subi %sub3A_12, %sub3A_13 : i32
    %add3A_15 = arith.addi %sub3A_11, %sub3A_14 : i32
    %div3A = arith.constant 1 : i32
    %div3A_16 = arith.divsi %add3A_15, %div3A : i32
    %while3A = arith.constant 1 : i32
    %while3A_17 = arith.constant 0 : i32
    %while3A_18 = arith.constant 0 : i32
    %while3A_19 = arith.subi %div3A_16, %while3A_18 : i32
    %while3A_20 = arith.addi %while3A_18, %while3A_19 : i32
    %while3A_21 = arith.constant 1 : i32
    %while3A_22 = arith.divsi %while3A_19, %while3A_21 : i32
    %while3A_23 = arith.muli %while3A_22, %while3A_21 : i32
    %while3A_24 = arith.addi %while3A_18, %while3A_23 : i32
    %while3A_25 = arith.constant 1 : i32
    scf.for %while3A_28 = %while3A_18 to %while3A_24 step %while3A_25  : i32 {
      %mul3A_29 = arith.muli %while3A_28, %while3A : i32
      %add3A_30 = arith.addi %while3A_17, %mul3A_29 : i32
      %add3A_31 = arith.addi %select_n3A, %add3A_30 : i32
      "tpu.region"() ({
        %run_scoped3A = tpu.sem_alloc : memref<!tpu.dma_semaphore, #tpu.memory_space<semaphore_mem>>
        %dma_start3A_37 = arith.constant 0 : i32
        %dma_start3A_38 = tpu.memref_slice %arg3[%add3A_31, %dma_start3A_37] : memref<2560x128xi32, #tpu.memory_space<hbm>> -> memref<1x128xi32, #tpu.memory_space<hbm>>
        %dma_start3A_39 = tpu.memref_squeeze %dma_start3A_38 : memref<1x128xi32, #tpu.memory_space<hbm>> -> memref<128xi32, #tpu.memory_space<hbm>>
        %dma_start3A_40 = arith.constant 0 : i32
        %dma_start3A_41 = tpu.memref_slice %arg3[%add3A_31, %dma_start3A_40] : memref<2560x128xi32, #tpu.memory_space<hbm>> -> memref<1x128xi32, #tpu.memory_space<hbm>>
        %dma_start3A_42 = tpu.memref_squeeze %dma_start3A_41 : memref<1x128xi32, #tpu.memory_space<hbm>> -> memref<128xi32, #tpu.memory_space<hbm>>
        tpu.enqueue_dma source(%dma_start3A_42 : memref<128xi32, #tpu.memory_space<hbm>>) target(%arg7 : memref<128xi32, #tpu.memory_space<vmem>>) target_semaphore(%run_scoped3A : memref<!tpu.dma_semaphore, #tpu.memory_space<semaphore_mem>>)
        %dma_wait3A_43 = arith.constant 0 : i32
        %dma_wait3A_44 = tpu.memref_slice %arg3[%add3A_31, %dma_wait3A_43] : memref<2560x128xi32, #tpu.memory_space<hbm>> -> memref<1x128xi32, #tpu.memory_space<hbm>>
        %dma_wait3A_45 = tpu.memref_squeeze %dma_wait3A_44 : memref<1x128xi32, #tpu.memory_space<hbm>> -> memref<128xi32, #tpu.memory_space<hbm>>
        %dma_wait3A_46 = arith.constant 0 : i32
        %dma_wait3A_47 = tpu.memref_slice %arg3[%add3A_31, %dma_wait3A_46] : memref<2560x128xi32, #tpu.memory_space<hbm>> -> memref<1x128xi32, #tpu.memory_space<hbm>>
        %dma_wait3A_48 = tpu.memref_squeeze %dma_wait3A_47 : memref<1x128xi32, #tpu.memory_space<hbm>> -> memref<128xi32, #tpu.memory_space<hbm>>
        tpu.wait_dma2 semaphore(%run_scoped3A : memref<!tpu.dma_semaphore, #tpu.memory_space<semaphore_mem>>) src(%dma_wait3A_48 : memref<128xi32, #tpu.memory_space<hbm>>) dst(%arg7 : memref<128xi32, #tpu.memory_space<vmem>>)
        tpu.yield
      }) : () -> ()
      %add3A_32 = arith.addi %select_n3A, %add3A_30 : i32
      "tpu.region"() ({
        %run_scoped3A = tpu.sem_alloc : memref<!tpu.dma_semaphore, #tpu.memory_space<semaphore_mem>>
        %dma_start3A_37 = arith.constant 0 : i32
        %dma_start3A_38 = tpu.memref_slice %arg4[%add3A_32, %dma_start3A_37] : memref<2560x128xi32, #tpu.memory_space<hbm>> -> memref<1x128xi32, #tpu.memory_space<hbm>>
        %dma_start3A_39 = tpu.memref_squeeze %dma_start3A_38 : memref<1x128xi32, #tpu.memory_space<hbm>> -> memref<128xi32, #tpu.memory_space<hbm>>
        %dma_start3A_40 = arith.constant 0 : i32
        %dma_start3A_41 = tpu.memref_slice %arg4[%add3A_32, %dma_start3A_40] : memref<2560x128xi32, #tpu.memory_space<hbm>> -> memref<1x128xi32, #tpu.memory_space<hbm>>
        %dma_start3A_42 = tpu.memref_squeeze %dma_start3A_41 : memref<1x128xi32, #tpu.memory_space<hbm>> -> memref<128xi32, #tpu.memory_space<hbm>>
        tpu.enqueue_dma source(%dma_start3A_42 : memref<128xi32, #tpu.memory_space<hbm>>) target(%arg8 : memref<128xi32, #tpu.memory_space<vmem>>) target_semaphore(%run_scoped3A : memref<!tpu.dma_semaphore, #tpu.memory_space<semaphore_mem>>)
        %dma_wait3A_43 = arith.constant 0 : i32
        %dma_wait3A_44 = tpu.memref_slice %arg4[%add3A_32, %dma_wait3A_43] : memref<2560x128xi32, #tpu.memory_space<hbm>> -> memref<1x128xi32, #tpu.memory_space<hbm>>
        %dma_wait3A_45 = tpu.memref_squeeze %dma_wait3A_44 : memref<1x128xi32, #tpu.memory_space<hbm>> -> memref<128xi32, #tpu.memory_space<hbm>>
        %dma_wait3A_46 = arith.constant 0 : i32
        %dma_wait3A_47 = tpu.memref_slice %arg4[%add3A_32, %dma_wait3A_46] : memref<2560x128xi32, #tpu.memory_space<hbm>> -> memref<1x128xi32, #tpu.memory_space<hbm>>
        %dma_wait3A_48 = tpu.memref_squeeze %dma_wait3A_47 : memref<1x128xi32, #tpu.memory_space<hbm>> -> memref<128xi32, #tpu.memory_space<hbm>>
        tpu.wait_dma2 semaphore(%run_scoped3A : memref<!tpu.dma_semaphore, #tpu.memory_space<semaphore_mem>>) src(%dma_wait3A_48 : memref<128xi32, #tpu.memory_space<hbm>>) dst(%arg8 : memref<128xi32, #tpu.memory_space<vmem>>)
        tpu.yield
      }) : () -> ()
      %dma_start3A = arith.constant 0 : i32
      %dma_start3A_33 = arith.constant 0 : i32
      %dma_start3A_34 = tpu.memref_slice %arg2[%dma_start3A, %dma_start3A_33] : memref<10000x16xf32, #tpu.memory_space<hbm>> -> memref<10000x16xf32, #tpu.memory_space<hbm>>
      tpu.enqueue_indirect_dma source(%dma_start3A_34 : memref<10000x16xf32, #tpu.memory_space<hbm>>) target(%arg9 : memref<128x16xf32, #tpu.memory_space<vmem>>) offsets(%arg7 : memref<128xi32, #tpu.memory_space<vmem>>) semaphore(%arg11 : memref<!tpu.dma_semaphore, #tpu.memory_space<semaphore_mem>>)
      %dma_wait3A = arith.constant 0 : i32
      %dma_wait3A_35 = arith.constant 0 : i32
      %dma_wait3A_36 = tpu.memref_slice %arg2[%dma_wait3A, %dma_wait3A_35] : memref<10000x16xf32, #tpu.memory_space<hbm>> -> memref<10000x16xf32, #tpu.memory_space<hbm>>
      tpu.wait_indirect_dma semaphore(%arg11 : memref<!tpu.dma_semaphore, #tpu.memory_space<semaphore_mem>>) src(%dma_wait3A_36 : memref<10000x16xf32, #tpu.memory_space<hbm>>) dst(%arg9 : memref<128x16xf32, #tpu.memory_space<vmem>>)
      "tpu.region"() ({
        %run_scoped3A = tpu.sem_alloc : memref<!tpu.dma_semaphore, #tpu.memory_space<semaphore_mem>>
        %dma_start3A_37 = arith.constant 0 : i32
        %dma_start3A_38 = arith.constant 0 : i32
        %dma_start3A_39 = tpu.memref_slice %arg10[%dma_start3A_37, %dma_start3A_38] : memref<10112x16xf32, #tpu.memory_space<vmem_shared>> -> memref<10112x16xf32, #tpu.memory_space<vmem_shared>>
        tpu.enqueue_indirect_dma source(%arg9 : memref<128x16xf32, #tpu.memory_space<vmem>>) target(%dma_start3A_39 : memref<10112x16xf32, #tpu.memory_space<vmem_shared>>) offsets(%arg8 : memref<128xi32, #tpu.memory_space<vmem>>) semaphore(%run_scoped3A : memref<!tpu.dma_semaphore, #tpu.memory_space<semaphore_mem>>) {add = true}
        %dma_wait3A_40 = arith.constant 0 : i32
        %dma_wait3A_41 = arith.constant 0 : i32
        %dma_wait3A_42 = tpu.memref_slice %arg10[%dma_wait3A_40, %dma_wait3A_41] : memref<10112x16xf32, #tpu.memory_space<vmem_shared>> -> memref<10112x16xf32, #tpu.memory_space<vmem_shared>>
        tpu.wait_indirect_dma semaphore(%run_scoped3A : memref<!tpu.dma_semaphore, #tpu.memory_space<semaphore_mem>>) src(%arg9 : memref<128x16xf32, #tpu.memory_space<vmem>>) dst(%dma_wait3A_42 : memref<10112x16xf32, #tpu.memory_space<vmem_shared>>)
        tpu.yield
      }) : () -> ()
    }
    %while3A_26 = arith.constant 1 : i32
    scf.for %while3A_28 = %while3A_24 to %while3A_20 step %while3A_26  : i32 {
      %mul3A_29 = arith.muli %while3A_28, %while3A : i32
      %add3A_30 = arith.addi %while3A_17, %mul3A_29 : i32
      %add3A_31 = arith.addi %select_n3A, %add3A_30 : i32
      "tpu.region"() ({
        %run_scoped3A = tpu.sem_alloc : memref<!tpu.dma_semaphore, #tpu.memory_space<semaphore_mem>>
        %dma_start3A_37 = arith.constant 0 : i32
        %dma_start3A_38 = tpu.memref_slice %arg3[%add3A_31, %dma_start3A_37] : memref<2560x128xi32, #tpu.memory_space<hbm>> -> memref<1x128xi32, #tpu.memory_space<hbm>>
        %dma_start3A_39 = tpu.memref_squeeze %dma_start3A_38 : memref<1x128xi32, #tpu.memory_space<hbm>> -> memref<128xi32, #tpu.memory_space<hbm>>
        %dma_start3A_40 = arith.constant 0 : i32
        %dma_start3A_41 = tpu.memref_slice %arg3[%add3A_31, %dma_start3A_40] : memref<2560x128xi32, #tpu.memory_space<hbm>> -> memref<1x128xi32, #tpu.memory_space<hbm>>
        %dma_start3A_42 = tpu.memref_squeeze %dma_start3A_41 : memref<1x128xi32, #tpu.memory_space<hbm>> -> memref<128xi32, #tpu.memory_space<hbm>>
        tpu.enqueue_dma source(%dma_start3A_42 : memref<128xi32, #tpu.memory_space<hbm>>) target(%arg7 : memref<128xi32, #tpu.memory_space<vmem>>) target_semaphore(%run_scoped3A : memref<!tpu.dma_semaphore, #tpu.memory_space<semaphore_mem>>)
        %dma_wait3A_43 = arith.constant 0 : i32
        %dma_wait3A_44 = tpu.memref_slice %arg3[%add3A_31, %dma_wait3A_43] : memref<2560x128xi32, #tpu.memory_space<hbm>> -> memref<1x128xi32, #tpu.memory_space<hbm>>
        %dma_wait3A_45 = tpu.memref_squeeze %dma_wait3A_44 : memref<1x128xi32, #tpu.memory_space<hbm>> -> memref<128xi32, #tpu.memory_space<hbm>>
        %dma_wait3A_46 = arith.constant 0 : i32
        %dma_wait3A_47 = tpu.memref_slice %arg3[%add3A_31, %dma_wait3A_46] : memref<2560x128xi32, #tpu.memory_space<hbm>> -> memref<1x128xi32, #tpu.memory_space<hbm>>
        %dma_wait3A_48 = tpu.memref_squeeze %dma_wait3A_47 : memref<1x128xi32, #tpu.memory_space<hbm>> -> memref<128xi32, #tpu.memory_space<hbm>>
        tpu.wait_dma2 semaphore(%run_scoped3A : memref<!tpu.dma_semaphore, #tpu.memory_space<semaphore_mem>>) src(%dma_wait3A_48 : memref<128xi32, #tpu.memory_space<hbm>>) dst(%arg7 : memref<128xi32, #tpu.memory_space<vmem>>)
        tpu.yield
      }) : () -> ()
      %add3A_32 = arith.addi %select_n3A, %add3A_30 : i32
      "tpu.region"() ({
        %run_scoped3A = tpu.sem_alloc : memref<!tpu.dma_semaphore, #tpu.memory_space<semaphore_mem>>
        %dma_start3A_37 = arith.constant 0 : i32
        %dma_start3A_38 = tpu.memref_slice %arg4[%add3A_32, %dma_start3A_37] : memref<2560x128xi32, #tpu.memory_space<hbm>> -> memref<1x128xi32, #tpu.memory_space<hbm>>
        %dma_start3A_39 = tpu.memref_squeeze %dma_start3A_38 : memref<1x128xi32, #tpu.memory_space<hbm>> -> memref<128xi32, #tpu.memory_space<hbm>>
        %dma_start3A_40 = arith.constant 0 : i32
        %dma_start3A_41 = tpu.memref_slice %arg4[%add3A_32, %dma_start3A_40] : memref<2560x128xi32, #tpu.memory_space<hbm>> -> memref<1x128xi32, #tpu.memory_space<hbm>>
        %dma_start3A_42 = tpu.memref_squeeze %dma_start3A_41 : memref<1x128xi32, #tpu.memory_space<hbm>> -> memref<128xi32, #tpu.memory_space<hbm>>
        tpu.enqueue_dma source(%dma_start3A_42 : memref<128xi32, #tpu.memory_space<hbm>>) target(%arg8 : memref<128xi32, #tpu.memory_space<vmem>>) target_semaphore(%run_scoped3A : memref<!tpu.dma_semaphore, #tpu.memory_space<semaphore_mem>>)
        %dma_wait3A_43 = arith.constant 0 : i32
        %dma_wait3A_44 = tpu.memref_slice %arg4[%add3A_32, %dma_wait3A_43] : memref<2560x128xi32, #tpu.memory_space<hbm>> -> memref<1x128xi32, #tpu.memory_space<hbm>>
        %dma_wait3A_45 = tpu.memref_squeeze %dma_wait3A_44 : memref<1x128xi32, #tpu.memory_space<hbm>> -> memref<128xi32, #tpu.memory_space<hbm>>
        %dma_wait3A_46 = arith.constant 0 : i32
        %dma_wait3A_47 = tpu.memref_slice %arg4[%add3A_32, %dma_wait3A_46] : memref<2560x128xi32, #tpu.memory_space<hbm>> -> memref<1x128xi32, #tpu.memory_space<hbm>>
        %dma_wait3A_48 = tpu.memref_squeeze %dma_wait3A_47 : memref<1x128xi32, #tpu.memory_space<hbm>> -> memref<128xi32, #tpu.memory_space<hbm>>
        tpu.wait_dma2 semaphore(%run_scoped3A : memref<!tpu.dma_semaphore, #tpu.memory_space<semaphore_mem>>) src(%dma_wait3A_48 : memref<128xi32, #tpu.memory_space<hbm>>) dst(%arg8 : memref<128xi32, #tpu.memory_space<vmem>>)
        tpu.yield
      }) : () -> ()
      %dma_start3A = arith.constant 0 : i32
      %dma_start3A_33 = arith.constant 0 : i32
      %dma_start3A_34 = tpu.memref_slice %arg2[%dma_start3A, %dma_start3A_33] : memref<10000x16xf32, #tpu.memory_space<hbm>> -> memref<10000x16xf32, #tpu.memory_space<hbm>>
      tpu.enqueue_indirect_dma source(%dma_start3A_34 : memref<10000x16xf32, #tpu.memory_space<hbm>>) target(%arg9 : memref<128x16xf32, #tpu.memory_space<vmem>>) offsets(%arg7 : memref<128xi32, #tpu.memory_space<vmem>>) semaphore(%arg11 : memref<!tpu.dma_semaphore, #tpu.memory_space<semaphore_mem>>)
      %dma_wait3A = arith.constant 0 : i32
      %dma_wait3A_35 = arith.constant 0 : i32
      %dma_wait3A_36 = tpu.memref_slice %arg2[%dma_wait3A, %dma_wait3A_35] : memref<10000x16xf32, #tpu.memory_space<hbm>> -> memref<10000x16xf32, #tpu.memory_space<hbm>>
      tpu.wait_indirect_dma semaphore(%arg11 : memref<!tpu.dma_semaphore, #tpu.memory_space<semaphore_mem>>) src(%dma_wait3A_36 : memref<10000x16xf32, #tpu.memory_space<hbm>>) dst(%arg9 : memref<128x16xf32, #tpu.memory_space<vmem>>)
      "tpu.region"() ({
        %run_scoped3A = tpu.sem_alloc : memref<!tpu.dma_semaphore, #tpu.memory_space<semaphore_mem>>
        %dma_start3A_37 = arith.constant 0 : i32
        %dma_start3A_38 = arith.constant 0 : i32
        %dma_start3A_39 = tpu.memref_slice %arg10[%dma_start3A_37, %dma_start3A_38] : memref<10112x16xf32, #tpu.memory_space<vmem_shared>> -> memref<10112x16xf32, #tpu.memory_space<vmem_shared>>
        tpu.enqueue_indirect_dma source(%arg9 : memref<128x16xf32, #tpu.memory_space<vmem>>) target(%dma_start3A_39 : memref<10112x16xf32, #tpu.memory_space<vmem_shared>>) offsets(%arg8 : memref<128xi32, #tpu.memory_space<vmem>>) semaphore(%run_scoped3A : memref<!tpu.dma_semaphore, #tpu.memory_space<semaphore_mem>>) {add = true}
        %dma_wait3A_40 = arith.constant 0 : i32
        %dma_wait3A_41 = arith.constant 0 : i32
        %dma_wait3A_42 = tpu.memref_slice %arg10[%dma_wait3A_40, %dma_wait3A_41] : memref<10112x16xf32, #tpu.memory_space<vmem_shared>> -> memref<10112x16xf32, #tpu.memory_space<vmem_shared>>
        tpu.wait_indirect_dma semaphore(%run_scoped3A : memref<!tpu.dma_semaphore, #tpu.memory_space<semaphore_mem>>) src(%arg9 : memref<128x16xf32, #tpu.memory_space<vmem>>) dst(%dma_wait3A_42 : memref<10112x16xf32, #tpu.memory_space<vmem_shared>>)
        tpu.yield
      }) : () -> ()
    }
    %barrier3A_27 = arith.constant 0 : index
    tpu.barrier barrier_id(%barrier3A_27)
    "tpu.region"() ({
      %run_scoped3A = tpu.sem_alloc : memref<!tpu.dma_semaphore, #tpu.memory_space<semaphore_mem>>
      %dma_start3A = arith.constant 0 : i32
      %dma_start3A_28 = tpu.memref_slice %arg6[%arg0, %mul3A_10, %dma_start3A] : memref<2x10112x16xf32, #tpu.memory_space<hbm>> -> memref<1x632x16xf32, #tpu.memory_space<hbm>>
      %dma_start3A_29 = tpu.memref_squeeze %dma_start3A_28 : memref<1x632x16xf32, #tpu.memory_space<hbm>> -> memref<632x16xf32, #tpu.memory_space<hbm>>
      %dma_start3A_30 = arith.constant 0 : i32
      %dma_start3A_31 = tpu.memref_slice %arg10[%mul3A_10, %dma_start3A_30] : memref<10112x16xf32, #tpu.memory_space<vmem_shared>> -> memref<632x16xf32, #tpu.memory_space<vmem_shared>>
      tpu.enqueue_dma source(%dma_start3A_31 : memref<632x16xf32, #tpu.memory_space<vmem_shared>>) target(%dma_start3A_29 : memref<632x16xf32, #tpu.memory_space<hbm>>) target_semaphore(%run_scoped3A : memref<!tpu.dma_semaphore, #tpu.memory_space<semaphore_mem>>)
      %dma_wait3A = arith.constant 0 : i32
      %dma_wait3A_32 = tpu.memref_slice %arg6[%arg0, %mul3A_10, %dma_wait3A] : memref<2x10112x16xf32, #tpu.memory_space<hbm>> -> memref<1x632x16xf32, #tpu.memory_space<hbm>>
      %dma_wait3A_33 = tpu.memref_squeeze %dma_wait3A_32 : memref<1x632x16xf32, #tpu.memory_space<hbm>> -> memref<632x16xf32, #tpu.memory_space<hbm>>
      %dma_wait3A_34 = arith.constant 0 : i32
      %dma_wait3A_35 = tpu.memref_slice %arg10[%mul3A_10, %dma_wait3A_34] : memref<10112x16xf32, #tpu.memory_space<vmem_shared>> -> memref<632x16xf32, #tpu.memory_space<vmem_shared>>
      tpu.wait_dma2 semaphore(%run_scoped3A : memref<!tpu.dma_semaphore, #tpu.memory_space<semaphore_mem>>) src(%dma_wait3A_35 : memref<632x16xf32, #tpu.memory_space<vmem_shared>>) dst(%dma_wait3A_33 : memref<632x16xf32, #tpu.memory_space<hbm>>)
      tpu.yield
    }) : () -> ()
    return
  }
}

#map = affine_map<(d0, d1) -> (0, 0)>
#map1 = affine_map<(d0, d1) -> (0, 0, 0)>
module attributes {stable_mosaic.version = 14 : i64} {
  func.func @seg(%arg0: i32, %arg1: i32, %arg2: memref<10000x128xf32, #tpu.memory_space<hbm>>, %arg3: memref<2560x128xi32, #tpu.memory_space<hbm>>, %arg4: memref<2560x128xi32, #tpu.memory_space<hbm>>, %arg5: memref<632x128xf32, #tpu.memory_space<hbm>>, %arg6: memref<2x10112x128xf32, #tpu.memory_space<hbm>>, %arg7: memref<128xi32, #tpu.memory_space<vmem>>, %arg8: memref<128xi32, #tpu.memory_space<vmem>>, %arg9: memref<128x128xf32, #tpu.memory_space<vmem>>, %arg10: memref<10112x128xf32, #tpu.memory_space<vmem_shared>>, %arg11: memref<!tpu.dma_semaphore, #tpu.memory_space<semaphore_mem>>) attributes {dimension_semantics = [#tpu.dimension_semantics<core_parallel>, #tpu.dimension_semantics<subcore_parallel>], iteration_bounds = array<i64: 2, 16>, scalar_prefetch = 0 : i64, scratch_operands = 5 : i64, tpu.core_type = #tpu.core_type<sc_vector_subcore>, window_params = [{transform_indices = #map}, {transform_indices = #map}, {transform_indices = #map}, {transform_indices = #map}, {transform_indices = #map1}]} {
    %eq3A = arith.constant 0 : i32
    %eq3A_0 = arith.cmpi eq, %arg0, %eq3A : i32
    %mul3A = arith.constant 88 : i32
    %mul3A_1 = arith.muli %arg1, %mul3A : i32
    %mul3A_2 = arith.constant 72 : i32
    %mul3A_3 = arith.muli %arg1, %mul3A_2 : i32
    %add3A = arith.constant 1408 : i32
    %add3A_4 = arith.addi %add3A, %mul3A_3 : i32
    %select_n3A = arith.select %eq3A_0, %mul3A_1, %add3A_4 : i32
    %eq3A_5 = arith.constant 0 : i32
    %eq3A_6 = arith.cmpi eq, %arg0, %eq3A_5 : i32
    %jit3A = arith.constant 88 : i32
    %jit3A_7 = arith.constant 72 : i32
    %select_n3A_8 = arith.select %eq3A_6, %jit3A, %jit3A_7 : i32
    %mul3A_9 = arith.constant 632 : i32
    %mul3A_10 = arith.muli %arg1, %mul3A_9 : i32
    "tpu.region"() ({
      %run_scoped3A = tpu.sem_alloc : memref<!tpu.dma_semaphore, #tpu.memory_space<semaphore_mem>>
      %dma_start3A = arith.constant 0 : i32
      %dma_start3A_28 = tpu.memref_slice %arg10[%mul3A_10, %dma_start3A] : memref<10112x128xf32, #tpu.memory_space<vmem_shared>> -> memref<632x128xf32, #tpu.memory_space<vmem_shared>>
      tpu.enqueue_dma source(%arg5 : memref<632x128xf32, #tpu.memory_space<hbm>>) target(%dma_start3A_28 : memref<632x128xf32, #tpu.memory_space<vmem_shared>>) target_semaphore(%run_scoped3A : memref<!tpu.dma_semaphore, #tpu.memory_space<semaphore_mem>>)
      %dma_wait3A = arith.constant 0 : i32
      %dma_wait3A_29 = tpu.memref_slice %arg10[%mul3A_10, %dma_wait3A] : memref<10112x128xf32, #tpu.memory_space<vmem_shared>> -> memref<632x128xf32, #tpu.memory_space<vmem_shared>>
      tpu.wait_dma2 semaphore(%run_scoped3A : memref<!tpu.dma_semaphore, #tpu.memory_space<semaphore_mem>>) src(%arg5 : memref<632x128xf32, #tpu.memory_space<hbm>>) dst(%dma_wait3A_29 : memref<632x128xf32, #tpu.memory_space<vmem_shared>>)
      tpu.yield
    }) : () -> ()
    %barrier3A = arith.constant 0 : index
    tpu.barrier barrier_id(%barrier3A)
    %sub3A = arith.constant 0 : i32
    %sub3A_11 = arith.subi %select_n3A_8, %sub3A : i32
    %sub3A_12 = arith.constant 1 : i32
    %sub3A_13 = arith.constant 1 : i32
    %sub3A_14 = arith.subi %sub3A_12, %sub3A_13 : i32
    %add3A_15 = arith.addi %sub3A_11, %sub3A_14 : i32
    %div3A = arith.constant 1 : i32
    %div3A_16 = arith.divsi %add3A_15, %div3A : i32
    %while3A = arith.constant 1 : i32
    %while3A_17 = arith.constant 0 : i32
    %while3A_18 = arith.constant 0 : i32
    %while3A_19 = arith.subi %div3A_16, %while3A_18 : i32
    %while3A_20 = arith.addi %while3A_18, %while3A_19 : i32
    %while3A_21 = arith.constant 1 : i32
    %while3A_22 = arith.divsi %while3A_19, %while3A_21 : i32
    %while3A_23 = arith.muli %while3A_22, %while3A_21 : i32
    %while3A_24 = arith.addi %while3A_18, %while3A_23 : i32
    %while3A_25 = arith.constant 1 : i32
    scf.for %while3A_28 = %while3A_18 to %while3A_24 step %while3A_25  : i32 {
      %mul3A_29 = arith.muli %while3A_28, %while3A : i32
      %add3A_30 = arith.addi %while3A_17, %mul3A_29 : i32
      %add3A_31 = arith.addi %select_n3A, %add3A_30 : i32
      "tpu.region"() ({
        %run_scoped3A = tpu.sem_alloc : memref<!tpu.dma_semaphore, #tpu.memory_space<semaphore_mem>>
        %dma_start3A_37 = arith.constant 0 : i32
        %dma_start3A_38 = tpu.memref_slice %arg3[%add3A_31, %dma_start3A_37] : memref<2560x128xi32, #tpu.memory_space<hbm>> -> memref<1x128xi32, #tpu.memory_space<hbm>>
        %dma_start3A_39 = tpu.memref_squeeze %dma_start3A_38 : memref<1x128xi32, #tpu.memory_space<hbm>> -> memref<128xi32, #tpu.memory_space<hbm>>
        %dma_start3A_40 = arith.constant 0 : i32
        %dma_start3A_41 = tpu.memref_slice %arg3[%add3A_31, %dma_start3A_40] : memref<2560x128xi32, #tpu.memory_space<hbm>> -> memref<1x128xi32, #tpu.memory_space<hbm>>
        %dma_start3A_42 = tpu.memref_squeeze %dma_start3A_41 : memref<1x128xi32, #tpu.memory_space<hbm>> -> memref<128xi32, #tpu.memory_space<hbm>>
        tpu.enqueue_dma source(%dma_start3A_42 : memref<128xi32, #tpu.memory_space<hbm>>) target(%arg7 : memref<128xi32, #tpu.memory_space<vmem>>) target_semaphore(%run_scoped3A : memref<!tpu.dma_semaphore, #tpu.memory_space<semaphore_mem>>)
        %dma_wait3A_43 = arith.constant 0 : i32
        %dma_wait3A_44 = tpu.memref_slice %arg3[%add3A_31, %dma_wait3A_43] : memref<2560x128xi32, #tpu.memory_space<hbm>> -> memref<1x128xi32, #tpu.memory_space<hbm>>
        %dma_wait3A_45 = tpu.memref_squeeze %dma_wait3A_44 : memref<1x128xi32, #tpu.memory_space<hbm>> -> memref<128xi32, #tpu.memory_space<hbm>>
        %dma_wait3A_46 = arith.constant 0 : i32
        %dma_wait3A_47 = tpu.memref_slice %arg3[%add3A_31, %dma_wait3A_46] : memref<2560x128xi32, #tpu.memory_space<hbm>> -> memref<1x128xi32, #tpu.memory_space<hbm>>
        %dma_wait3A_48 = tpu.memref_squeeze %dma_wait3A_47 : memref<1x128xi32, #tpu.memory_space<hbm>> -> memref<128xi32, #tpu.memory_space<hbm>>
        tpu.wait_dma2 semaphore(%run_scoped3A : memref<!tpu.dma_semaphore, #tpu.memory_space<semaphore_mem>>) src(%dma_wait3A_48 : memref<128xi32, #tpu.memory_space<hbm>>) dst(%arg7 : memref<128xi32, #tpu.memory_space<vmem>>)
        tpu.yield
      }) : () -> ()
      %add3A_32 = arith.addi %select_n3A, %add3A_30 : i32
      "tpu.region"() ({
        %run_scoped3A = tpu.sem_alloc : memref<!tpu.dma_semaphore, #tpu.memory_space<semaphore_mem>>
        %dma_start3A_37 = arith.constant 0 : i32
        %dma_start3A_38 = tpu.memref_slice %arg4[%add3A_32, %dma_start3A_37] : memref<2560x128xi32, #tpu.memory_space<hbm>> -> memref<1x128xi32, #tpu.memory_space<hbm>>
        %dma_start3A_39 = tpu.memref_squeeze %dma_start3A_38 : memref<1x128xi32, #tpu.memory_space<hbm>> -> memref<128xi32, #tpu.memory_space<hbm>>
        %dma_start3A_40 = arith.constant 0 : i32
        %dma_start3A_41 = tpu.memref_slice %arg4[%add3A_32, %dma_start3A_40] : memref<2560x128xi32, #tpu.memory_space<hbm>> -> memref<1x128xi32, #tpu.memory_space<hbm>>
        %dma_start3A_42 = tpu.memref_squeeze %dma_start3A_41 : memref<1x128xi32, #tpu.memory_space<hbm>> -> memref<128xi32, #tpu.memory_space<hbm>>
        tpu.enqueue_dma source(%dma_start3A_42 : memref<128xi32, #tpu.memory_space<hbm>>) target(%arg8 : memref<128xi32, #tpu.memory_space<vmem>>) target_semaphore(%run_scoped3A : memref<!tpu.dma_semaphore, #tpu.memory_space<semaphore_mem>>)
        %dma_wait3A_43 = arith.constant 0 : i32
        %dma_wait3A_44 = tpu.memref_slice %arg4[%add3A_32, %dma_wait3A_43] : memref<2560x128xi32, #tpu.memory_space<hbm>> -> memref<1x128xi32, #tpu.memory_space<hbm>>
        %dma_wait3A_45 = tpu.memref_squeeze %dma_wait3A_44 : memref<1x128xi32, #tpu.memory_space<hbm>> -> memref<128xi32, #tpu.memory_space<hbm>>
        %dma_wait3A_46 = arith.constant 0 : i32
        %dma_wait3A_47 = tpu.memref_slice %arg4[%add3A_32, %dma_wait3A_46] : memref<2560x128xi32, #tpu.memory_space<hbm>> -> memref<1x128xi32, #tpu.memory_space<hbm>>
        %dma_wait3A_48 = tpu.memref_squeeze %dma_wait3A_47 : memref<1x128xi32, #tpu.memory_space<hbm>> -> memref<128xi32, #tpu.memory_space<hbm>>
        tpu.wait_dma2 semaphore(%run_scoped3A : memref<!tpu.dma_semaphore, #tpu.memory_space<semaphore_mem>>) src(%dma_wait3A_48 : memref<128xi32, #tpu.memory_space<hbm>>) dst(%arg8 : memref<128xi32, #tpu.memory_space<vmem>>)
        tpu.yield
      }) : () -> ()
      %dma_start3A = arith.constant 0 : i32
      %dma_start3A_33 = arith.constant 0 : i32
      %dma_start3A_34 = tpu.memref_slice %arg2[%dma_start3A, %dma_start3A_33] : memref<10000x128xf32, #tpu.memory_space<hbm>> -> memref<10000x128xf32, #tpu.memory_space<hbm>>
      tpu.enqueue_indirect_dma source(%dma_start3A_34 : memref<10000x128xf32, #tpu.memory_space<hbm>>) target(%arg9 : memref<128x128xf32, #tpu.memory_space<vmem>>) offsets(%arg7 : memref<128xi32, #tpu.memory_space<vmem>>) semaphore(%arg11 : memref<!tpu.dma_semaphore, #tpu.memory_space<semaphore_mem>>)
      %dma_wait3A = arith.constant 0 : i32
      %dma_wait3A_35 = arith.constant 0 : i32
      %dma_wait3A_36 = tpu.memref_slice %arg2[%dma_wait3A, %dma_wait3A_35] : memref<10000x128xf32, #tpu.memory_space<hbm>> -> memref<10000x128xf32, #tpu.memory_space<hbm>>
      tpu.wait_indirect_dma semaphore(%arg11 : memref<!tpu.dma_semaphore, #tpu.memory_space<semaphore_mem>>) src(%dma_wait3A_36 : memref<10000x128xf32, #tpu.memory_space<hbm>>) dst(%arg9 : memref<128x128xf32, #tpu.memory_space<vmem>>)
      "tpu.region"() ({
        %run_scoped3A = tpu.sem_alloc : memref<!tpu.dma_semaphore, #tpu.memory_space<semaphore_mem>>
        %dma_start3A_37 = arith.constant 0 : i32
        %dma_start3A_38 = arith.constant 0 : i32
        %dma_start3A_39 = tpu.memref_slice %arg10[%dma_start3A_37, %dma_start3A_38] : memref<10112x128xf32, #tpu.memory_space<vmem_shared>> -> memref<10112x128xf32, #tpu.memory_space<vmem_shared>>
        tpu.enqueue_indirect_dma source(%arg9 : memref<128x128xf32, #tpu.memory_space<vmem>>) target(%dma_start3A_39 : memref<10112x128xf32, #tpu.memory_space<vmem_shared>>) offsets(%arg8 : memref<128xi32, #tpu.memory_space<vmem>>) semaphore(%run_scoped3A : memref<!tpu.dma_semaphore, #tpu.memory_space<semaphore_mem>>) {add = true}
        %dma_wait3A_40 = arith.constant 0 : i32
        %dma_wait3A_41 = arith.constant 0 : i32
        %dma_wait3A_42 = tpu.memref_slice %arg10[%dma_wait3A_40, %dma_wait3A_41] : memref<10112x128xf32, #tpu.memory_space<vmem_shared>> -> memref<10112x128xf32, #tpu.memory_space<vmem_shared>>
        tpu.wait_indirect_dma semaphore(%run_scoped3A : memref<!tpu.dma_semaphore, #tpu.memory_space<semaphore_mem>>) src(%arg9 : memref<128x128xf32, #tpu.memory_space<vmem>>) dst(%dma_wait3A_42 : memref<10112x128xf32, #tpu.memory_space<vmem_shared>>)
        tpu.yield
      }) : () -> ()
    }
    %while3A_26 = arith.constant 1 : i32
    scf.for %while3A_28 = %while3A_24 to %while3A_20 step %while3A_26  : i32 {
      %mul3A_29 = arith.muli %while3A_28, %while3A : i32
      %add3A_30 = arith.addi %while3A_17, %mul3A_29 : i32
      %add3A_31 = arith.addi %select_n3A, %add3A_30 : i32
      "tpu.region"() ({
        %run_scoped3A = tpu.sem_alloc : memref<!tpu.dma_semaphore, #tpu.memory_space<semaphore_mem>>
        %dma_start3A_37 = arith.constant 0 : i32
        %dma_start3A_38 = tpu.memref_slice %arg3[%add3A_31, %dma_start3A_37] : memref<2560x128xi32, #tpu.memory_space<hbm>> -> memref<1x128xi32, #tpu.memory_space<hbm>>
        %dma_start3A_39 = tpu.memref_squeeze %dma_start3A_38 : memref<1x128xi32, #tpu.memory_space<hbm>> -> memref<128xi32, #tpu.memory_space<hbm>>
        %dma_start3A_40 = arith.constant 0 : i32
        %dma_start3A_41 = tpu.memref_slice %arg3[%add3A_31, %dma_start3A_40] : memref<2560x128xi32, #tpu.memory_space<hbm>> -> memref<1x128xi32, #tpu.memory_space<hbm>>
        %dma_start3A_42 = tpu.memref_squeeze %dma_start3A_41 : memref<1x128xi32, #tpu.memory_space<hbm>> -> memref<128xi32, #tpu.memory_space<hbm>>
        tpu.enqueue_dma source(%dma_start3A_42 : memref<128xi32, #tpu.memory_space<hbm>>) target(%arg7 : memref<128xi32, #tpu.memory_space<vmem>>) target_semaphore(%run_scoped3A : memref<!tpu.dma_semaphore, #tpu.memory_space<semaphore_mem>>)
        %dma_wait3A_43 = arith.constant 0 : i32
        %dma_wait3A_44 = tpu.memref_slice %arg3[%add3A_31, %dma_wait3A_43] : memref<2560x128xi32, #tpu.memory_space<hbm>> -> memref<1x128xi32, #tpu.memory_space<hbm>>
        %dma_wait3A_45 = tpu.memref_squeeze %dma_wait3A_44 : memref<1x128xi32, #tpu.memory_space<hbm>> -> memref<128xi32, #tpu.memory_space<hbm>>
        %dma_wait3A_46 = arith.constant 0 : i32
        %dma_wait3A_47 = tpu.memref_slice %arg3[%add3A_31, %dma_wait3A_46] : memref<2560x128xi32, #tpu.memory_space<hbm>> -> memref<1x128xi32, #tpu.memory_space<hbm>>
        %dma_wait3A_48 = tpu.memref_squeeze %dma_wait3A_47 : memref<1x128xi32, #tpu.memory_space<hbm>> -> memref<128xi32, #tpu.memory_space<hbm>>
        tpu.wait_dma2 semaphore(%run_scoped3A : memref<!tpu.dma_semaphore, #tpu.memory_space<semaphore_mem>>) src(%dma_wait3A_48 : memref<128xi32, #tpu.memory_space<hbm>>) dst(%arg7 : memref<128xi32, #tpu.memory_space<vmem>>)
        tpu.yield
      }) : () -> ()
      %add3A_32 = arith.addi %select_n3A, %add3A_30 : i32
      "tpu.region"() ({
        %run_scoped3A = tpu.sem_alloc : memref<!tpu.dma_semaphore, #tpu.memory_space<semaphore_mem>>
        %dma_start3A_37 = arith.constant 0 : i32
        %dma_start3A_38 = tpu.memref_slice %arg4[%add3A_32, %dma_start3A_37] : memref<2560x128xi32, #tpu.memory_space<hbm>> -> memref<1x128xi32, #tpu.memory_space<hbm>>
        %dma_start3A_39 = tpu.memref_squeeze %dma_start3A_38 : memref<1x128xi32, #tpu.memory_space<hbm>> -> memref<128xi32, #tpu.memory_space<hbm>>
        %dma_start3A_40 = arith.constant 0 : i32
        %dma_start3A_41 = tpu.memref_slice %arg4[%add3A_32, %dma_start3A_40] : memref<2560x128xi32, #tpu.memory_space<hbm>> -> memref<1x128xi32, #tpu.memory_space<hbm>>
        %dma_start3A_42 = tpu.memref_squeeze %dma_start3A_41 : memref<1x128xi32, #tpu.memory_space<hbm>> -> memref<128xi32, #tpu.memory_space<hbm>>
        tpu.enqueue_dma source(%dma_start3A_42 : memref<128xi32, #tpu.memory_space<hbm>>) target(%arg8 : memref<128xi32, #tpu.memory_space<vmem>>) target_semaphore(%run_scoped3A : memref<!tpu.dma_semaphore, #tpu.memory_space<semaphore_mem>>)
        %dma_wait3A_43 = arith.constant 0 : i32
        %dma_wait3A_44 = tpu.memref_slice %arg4[%add3A_32, %dma_wait3A_43] : memref<2560x128xi32, #tpu.memory_space<hbm>> -> memref<1x128xi32, #tpu.memory_space<hbm>>
        %dma_wait3A_45 = tpu.memref_squeeze %dma_wait3A_44 : memref<1x128xi32, #tpu.memory_space<hbm>> -> memref<128xi32, #tpu.memory_space<hbm>>
        %dma_wait3A_46 = arith.constant 0 : i32
        %dma_wait3A_47 = tpu.memref_slice %arg4[%add3A_32, %dma_wait3A_46] : memref<2560x128xi32, #tpu.memory_space<hbm>> -> memref<1x128xi32, #tpu.memory_space<hbm>>
        %dma_wait3A_48 = tpu.memref_squeeze %dma_wait3A_47 : memref<1x128xi32, #tpu.memory_space<hbm>> -> memref<128xi32, #tpu.memory_space<hbm>>
        tpu.wait_dma2 semaphore(%run_scoped3A : memref<!tpu.dma_semaphore, #tpu.memory_space<semaphore_mem>>) src(%dma_wait3A_48 : memref<128xi32, #tpu.memory_space<hbm>>) dst(%arg8 : memref<128xi32, #tpu.memory_space<vmem>>)
        tpu.yield
      }) : () -> ()
      %dma_start3A = arith.constant 0 : i32
      %dma_start3A_33 = arith.constant 0 : i32
      %dma_start3A_34 = tpu.memref_slice %arg2[%dma_start3A, %dma_start3A_33] : memref<10000x128xf32, #tpu.memory_space<hbm>> -> memref<10000x128xf32, #tpu.memory_space<hbm>>
      tpu.enqueue_indirect_dma source(%dma_start3A_34 : memref<10000x128xf32, #tpu.memory_space<hbm>>) target(%arg9 : memref<128x128xf32, #tpu.memory_space<vmem>>) offsets(%arg7 : memref<128xi32, #tpu.memory_space<vmem>>) semaphore(%arg11 : memref<!tpu.dma_semaphore, #tpu.memory_space<semaphore_mem>>)
      %dma_wait3A = arith.constant 0 : i32
      %dma_wait3A_35 = arith.constant 0 : i32
      %dma_wait3A_36 = tpu.memref_slice %arg2[%dma_wait3A, %dma_wait3A_35] : memref<10000x128xf32, #tpu.memory_space<hbm>> -> memref<10000x128xf32, #tpu.memory_space<hbm>>
      tpu.wait_indirect_dma semaphore(%arg11 : memref<!tpu.dma_semaphore, #tpu.memory_space<semaphore_mem>>) src(%dma_wait3A_36 : memref<10000x128xf32, #tpu.memory_space<hbm>>) dst(%arg9 : memref<128x128xf32, #tpu.memory_space<vmem>>)
      "tpu.region"() ({
        %run_scoped3A = tpu.sem_alloc : memref<!tpu.dma_semaphore, #tpu.memory_space<semaphore_mem>>
        %dma_start3A_37 = arith.constant 0 : i32
        %dma_start3A_38 = arith.constant 0 : i32
        %dma_start3A_39 = tpu.memref_slice %arg10[%dma_start3A_37, %dma_start3A_38] : memref<10112x128xf32, #tpu.memory_space<vmem_shared>> -> memref<10112x128xf32, #tpu.memory_space<vmem_shared>>
        tpu.enqueue_indirect_dma source(%arg9 : memref<128x128xf32, #tpu.memory_space<vmem>>) target(%dma_start3A_39 : memref<10112x128xf32, #tpu.memory_space<vmem_shared>>) offsets(%arg8 : memref<128xi32, #tpu.memory_space<vmem>>) semaphore(%run_scoped3A : memref<!tpu.dma_semaphore, #tpu.memory_space<semaphore_mem>>) {add = true}
        %dma_wait3A_40 = arith.constant 0 : i32
        %dma_wait3A_41 = arith.constant 0 : i32
        %dma_wait3A_42 = tpu.memref_slice %arg10[%dma_wait3A_40, %dma_wait3A_41] : memref<10112x128xf32, #tpu.memory_space<vmem_shared>> -> memref<10112x128xf32, #tpu.memory_space<vmem_shared>>
        tpu.wait_indirect_dma semaphore(%run_scoped3A : memref<!tpu.dma_semaphore, #tpu.memory_space<semaphore_mem>>) src(%arg9 : memref<128x128xf32, #tpu.memory_space<vmem>>) dst(%dma_wait3A_42 : memref<10112x128xf32, #tpu.memory_space<vmem_shared>>)
        tpu.yield
      }) : () -> ()
    }
    %barrier3A_27 = arith.constant 0 : index
    tpu.barrier barrier_id(%barrier3A_27)
    "tpu.region"() ({
      %run_scoped3A = tpu.sem_alloc : memref<!tpu.dma_semaphore, #tpu.memory_space<semaphore_mem>>
      %dma_start3A = arith.constant 0 : i32
      %dma_start3A_28 = tpu.memref_slice %arg6[%arg0, %mul3A_10, %dma_start3A] : memref<2x10112x128xf32, #tpu.memory_space<hbm>> -> memref<1x632x128xf32, #tpu.memory_space<hbm>>
      %dma_start3A_29 = tpu.memref_squeeze %dma_start3A_28 : memref<1x632x128xf32, #tpu.memory_space<hbm>> -> memref<632x128xf32, #tpu.memory_space<hbm>>
      %dma_start3A_30 = arith.constant 0 : i32
      %dma_start3A_31 = tpu.memref_slice %arg10[%mul3A_10, %dma_start3A_30] : memref<10112x128xf32, #tpu.memory_space<vmem_shared>> -> memref<632x128xf32, #tpu.memory_space<vmem_shared>>
      tpu.enqueue_dma source(%dma_start3A_31 : memref<632x128xf32, #tpu.memory_space<vmem_shared>>) target(%dma_start3A_29 : memref<632x128xf32, #tpu.memory_space<hbm>>) target_semaphore(%run_scoped3A : memref<!tpu.dma_semaphore, #tpu.memory_space<semaphore_mem>>)
      %dma_wait3A = arith.constant 0 : i32
      %dma_wait3A_32 = tpu.memref_slice %arg6[%arg0, %mul3A_10, %dma_wait3A] : memref<2x10112x128xf32, #tpu.memory_space<hbm>> -> memref<1x632x128xf32, #tpu.memory_space<hbm>>
      %dma_wait3A_33 = tpu.memref_squeeze %dma_wait3A_32 : memref<1x632x128xf32, #tpu.memory_space<hbm>> -> memref<632x128xf32, #tpu.memory_space<hbm>>
      %dma_wait3A_34 = arith.constant 0 : i32
      %dma_wait3A_35 = tpu.memref_slice %arg10[%mul3A_10, %dma_wait3A_34] : memref<10112x128xf32, #tpu.memory_space<vmem_shared>> -> memref<632x128xf32, #tpu.memory_space<vmem_shared>>
      tpu.wait_dma2 semaphore(%run_scoped3A : memref<!tpu.dma_semaphore, #tpu.memory_space<semaphore_mem>>) src(%dma_wait3A_35 : memref<632x128xf32, #tpu.memory_space<vmem_shared>>) dst(%dma_wait3A_33 : memref<632x128xf32, #tpu.memory_space<hbm>>)
      tpu.yield
    }) : () -> ()
    return
  }
}

#map = affine_map<(d0, d1) -> (0, 0)>
#map1 = affine_map<(d0, d1) -> (0, 0, 0)>
module attributes {stable_mosaic.version = 14 : i64} {
  func.func @seg(%arg0: i32, %arg1: i32, %arg2: memref<10000x128xf32, #tpu.memory_space<hbm>>, %arg3: memref<2560x128xi32, #tpu.memory_space<hbm>>, %arg4: memref<2560x128xi32, #tpu.memory_space<hbm>>, %arg5: memref<632x128xf32, #tpu.memory_space<hbm>>, %arg6: memref<2x10112x128xf32, #tpu.memory_space<hbm>>, %arg7: memref<128xi32, #tpu.memory_space<vmem>>, %arg8: memref<128xi32, #tpu.memory_space<vmem>>, %arg9: memref<128x128xf32, #tpu.memory_space<vmem>>, %arg10: memref<10112x128xf32, #tpu.memory_space<vmem_shared>>, %arg11: memref<!tpu.dma_semaphore, #tpu.memory_space<semaphore_mem>>) attributes {dimension_semantics = [#tpu.dimension_semantics<core_parallel>, #tpu.dimension_semantics<subcore_parallel>], iteration_bounds = array<i64: 2, 16>, scalar_prefetch = 0 : i64, scratch_operands = 5 : i64, tpu.core_type = #tpu.core_type<sc_vector_subcore>, window_params = [{transform_indices = #map}, {transform_indices = #map}, {transform_indices = #map}, {transform_indices = #map}, {transform_indices = #map1}]} {
    %eq3A = arith.constant 0 : i32
    %eq3A_0 = arith.cmpi eq, %arg0, %eq3A : i32
    %mul3A = arith.constant 88 : i32
    %mul3A_1 = arith.muli %arg1, %mul3A : i32
    %mul3A_2 = arith.constant 72 : i32
    %mul3A_3 = arith.muli %arg1, %mul3A_2 : i32
    %add3A = arith.constant 1408 : i32
    %add3A_4 = arith.addi %add3A, %mul3A_3 : i32
    %select_n3A = arith.select %eq3A_0, %mul3A_1, %add3A_4 : i32
    %eq3A_5 = arith.constant 0 : i32
    %eq3A_6 = arith.cmpi eq, %arg0, %eq3A_5 : i32
    %jit3A = arith.constant 88 : i32
    %jit3A_7 = arith.constant 72 : i32
    %select_n3A_8 = arith.select %eq3A_6, %jit3A, %jit3A_7 : i32
    %mul3A_9 = arith.constant 632 : i32
    %mul3A_10 = arith.muli %arg1, %mul3A_9 : i32
    "tpu.region"() ({
      %run_scoped3A = tpu.sem_alloc : memref<!tpu.dma_semaphore, #tpu.memory_space<semaphore_mem>>
      %dma_start3A = arith.constant 0 : i32
      %dma_start3A_28 = tpu.memref_slice %arg10[%mul3A_10, %dma_start3A] : memref<10112x128xf32, #tpu.memory_space<vmem_shared>> -> memref<632x128xf32, #tpu.memory_space<vmem_shared>>
      tpu.enqueue_dma source(%arg5 : memref<632x128xf32, #tpu.memory_space<hbm>>) target(%dma_start3A_28 : memref<632x128xf32, #tpu.memory_space<vmem_shared>>) target_semaphore(%run_scoped3A : memref<!tpu.dma_semaphore, #tpu.memory_space<semaphore_mem>>)
      %dma_wait3A = arith.constant 0 : i32
      %dma_wait3A_29 = tpu.memref_slice %arg10[%mul3A_10, %dma_wait3A] : memref<10112x128xf32, #tpu.memory_space<vmem_shared>> -> memref<632x128xf32, #tpu.memory_space<vmem_shared>>
      tpu.wait_dma2 semaphore(%run_scoped3A : memref<!tpu.dma_semaphore, #tpu.memory_space<semaphore_mem>>) src(%arg5 : memref<632x128xf32, #tpu.memory_space<hbm>>) dst(%dma_wait3A_29 : memref<632x128xf32, #tpu.memory_space<vmem_shared>>)
      tpu.yield
    }) : () -> ()
    %barrier3A = arith.constant 0 : index
    tpu.barrier barrier_id(%barrier3A)
    %sub3A = arith.constant 0 : i32
    %sub3A_11 = arith.subi %select_n3A_8, %sub3A : i32
    %sub3A_12 = arith.constant 1 : i32
    %sub3A_13 = arith.constant 1 : i32
    %sub3A_14 = arith.subi %sub3A_12, %sub3A_13 : i32
    %add3A_15 = arith.addi %sub3A_11, %sub3A_14 : i32
    %div3A = arith.constant 1 : i32
    %div3A_16 = arith.divsi %add3A_15, %div3A : i32
    %while3A = arith.constant 1 : i32
    %while3A_17 = arith.constant 0 : i32
    %while3A_18 = arith.constant 0 : i32
    %while3A_19 = arith.subi %div3A_16, %while3A_18 : i32
    %while3A_20 = arith.addi %while3A_18, %while3A_19 : i32
    %while3A_21 = arith.constant 1 : i32
    %while3A_22 = arith.divsi %while3A_19, %while3A_21 : i32
    %while3A_23 = arith.muli %while3A_22, %while3A_21 : i32
    %while3A_24 = arith.addi %while3A_18, %while3A_23 : i32
    %while3A_25 = arith.constant 1 : i32
    scf.for %while3A_28 = %while3A_18 to %while3A_24 step %while3A_25  : i32 {
      %mul3A_29 = arith.muli %while3A_28, %while3A : i32
      %add3A_30 = arith.addi %while3A_17, %mul3A_29 : i32
      %add3A_31 = arith.addi %select_n3A, %add3A_30 : i32
      "tpu.region"() ({
        %run_scoped3A = tpu.sem_alloc : memref<!tpu.dma_semaphore, #tpu.memory_space<semaphore_mem>>
        %dma_start3A_37 = arith.constant 0 : i32
        %dma_start3A_38 = tpu.memref_slice %arg3[%add3A_31, %dma_start3A_37] : memref<2560x128xi32, #tpu.memory_space<hbm>> -> memref<1x128xi32, #tpu.memory_space<hbm>>
        %dma_start3A_39 = tpu.memref_squeeze %dma_start3A_38 : memref<1x128xi32, #tpu.memory_space<hbm>> -> memref<128xi32, #tpu.memory_space<hbm>>
        %dma_start3A_40 = arith.constant 0 : i32
        %dma_start3A_41 = tpu.memref_slice %arg3[%add3A_31, %dma_start3A_40] : memref<2560x128xi32, #tpu.memory_space<hbm>> -> memref<1x128xi32, #tpu.memory_space<hbm>>
        %dma_start3A_42 = tpu.memref_squeeze %dma_start3A_41 : memref<1x128xi32, #tpu.memory_space<hbm>> -> memref<128xi32, #tpu.memory_space<hbm>>
        tpu.enqueue_dma source(%dma_start3A_42 : memref<128xi32, #tpu.memory_space<hbm>>) target(%arg7 : memref<128xi32, #tpu.memory_space<vmem>>) target_semaphore(%run_scoped3A : memref<!tpu.dma_semaphore, #tpu.memory_space<semaphore_mem>>)
        %dma_wait3A_43 = arith.constant 0 : i32
        %dma_wait3A_44 = tpu.memref_slice %arg3[%add3A_31, %dma_wait3A_43] : memref<2560x128xi32, #tpu.memory_space<hbm>> -> memref<1x128xi32, #tpu.memory_space<hbm>>
        %dma_wait3A_45 = tpu.memref_squeeze %dma_wait3A_44 : memref<1x128xi32, #tpu.memory_space<hbm>> -> memref<128xi32, #tpu.memory_space<hbm>>
        %dma_wait3A_46 = arith.constant 0 : i32
        %dma_wait3A_47 = tpu.memref_slice %arg3[%add3A_31, %dma_wait3A_46] : memref<2560x128xi32, #tpu.memory_space<hbm>> -> memref<1x128xi32, #tpu.memory_space<hbm>>
        %dma_wait3A_48 = tpu.memref_squeeze %dma_wait3A_47 : memref<1x128xi32, #tpu.memory_space<hbm>> -> memref<128xi32, #tpu.memory_space<hbm>>
        tpu.wait_dma2 semaphore(%run_scoped3A : memref<!tpu.dma_semaphore, #tpu.memory_space<semaphore_mem>>) src(%dma_wait3A_48 : memref<128xi32, #tpu.memory_space<hbm>>) dst(%arg7 : memref<128xi32, #tpu.memory_space<vmem>>)
        tpu.yield
      }) : () -> ()
      %add3A_32 = arith.addi %select_n3A, %add3A_30 : i32
      "tpu.region"() ({
        %run_scoped3A = tpu.sem_alloc : memref<!tpu.dma_semaphore, #tpu.memory_space<semaphore_mem>>
        %dma_start3A_37 = arith.constant 0 : i32
        %dma_start3A_38 = tpu.memref_slice %arg4[%add3A_32, %dma_start3A_37] : memref<2560x128xi32, #tpu.memory_space<hbm>> -> memref<1x128xi32, #tpu.memory_space<hbm>>
        %dma_start3A_39 = tpu.memref_squeeze %dma_start3A_38 : memref<1x128xi32, #tpu.memory_space<hbm>> -> memref<128xi32, #tpu.memory_space<hbm>>
        %dma_start3A_40 = arith.constant 0 : i32
        %dma_start3A_41 = tpu.memref_slice %arg4[%add3A_32, %dma_start3A_40] : memref<2560x128xi32, #tpu.memory_space<hbm>> -> memref<1x128xi32, #tpu.memory_space<hbm>>
        %dma_start3A_42 = tpu.memref_squeeze %dma_start3A_41 : memref<1x128xi32, #tpu.memory_space<hbm>> -> memref<128xi32, #tpu.memory_space<hbm>>
        tpu.enqueue_dma source(%dma_start3A_42 : memref<128xi32, #tpu.memory_space<hbm>>) target(%arg8 : memref<128xi32, #tpu.memory_space<vmem>>) target_semaphore(%run_scoped3A : memref<!tpu.dma_semaphore, #tpu.memory_space<semaphore_mem>>)
        %dma_wait3A_43 = arith.constant 0 : i32
        %dma_wait3A_44 = tpu.memref_slice %arg4[%add3A_32, %dma_wait3A_43] : memref<2560x128xi32, #tpu.memory_space<hbm>> -> memref<1x128xi32, #tpu.memory_space<hbm>>
        %dma_wait3A_45 = tpu.memref_squeeze %dma_wait3A_44 : memref<1x128xi32, #tpu.memory_space<hbm>> -> memref<128xi32, #tpu.memory_space<hbm>>
        %dma_wait3A_46 = arith.constant 0 : i32
        %dma_wait3A_47 = tpu.memref_slice %arg4[%add3A_32, %dma_wait3A_46] : memref<2560x128xi32, #tpu.memory_space<hbm>> -> memref<1x128xi32, #tpu.memory_space<hbm>>
        %dma_wait3A_48 = tpu.memref_squeeze %dma_wait3A_47 : memref<1x128xi32, #tpu.memory_space<hbm>> -> memref<128xi32, #tpu.memory_space<hbm>>
        tpu.wait_dma2 semaphore(%run_scoped3A : memref<!tpu.dma_semaphore, #tpu.memory_space<semaphore_mem>>) src(%dma_wait3A_48 : memref<128xi32, #tpu.memory_space<hbm>>) dst(%arg8 : memref<128xi32, #tpu.memory_space<vmem>>)
        tpu.yield
      }) : () -> ()
      %dma_start3A = arith.constant 0 : i32
      %dma_start3A_33 = arith.constant 0 : i32
      %dma_start3A_34 = tpu.memref_slice %arg2[%dma_start3A, %dma_start3A_33] : memref<10000x128xf32, #tpu.memory_space<hbm>> -> memref<10000x128xf32, #tpu.memory_space<hbm>>
      tpu.enqueue_indirect_dma source(%dma_start3A_34 : memref<10000x128xf32, #tpu.memory_space<hbm>>) target(%arg9 : memref<128x128xf32, #tpu.memory_space<vmem>>) offsets(%arg7 : memref<128xi32, #tpu.memory_space<vmem>>) semaphore(%arg11 : memref<!tpu.dma_semaphore, #tpu.memory_space<semaphore_mem>>)
      %dma_wait3A = arith.constant 0 : i32
      %dma_wait3A_35 = arith.constant 0 : i32
      %dma_wait3A_36 = tpu.memref_slice %arg2[%dma_wait3A, %dma_wait3A_35] : memref<10000x128xf32, #tpu.memory_space<hbm>> -> memref<10000x128xf32, #tpu.memory_space<hbm>>
      tpu.wait_indirect_dma semaphore(%arg11 : memref<!tpu.dma_semaphore, #tpu.memory_space<semaphore_mem>>) src(%dma_wait3A_36 : memref<10000x128xf32, #tpu.memory_space<hbm>>) dst(%arg9 : memref<128x128xf32, #tpu.memory_space<vmem>>)
      "tpu.region"() ({
        %run_scoped3A = tpu.sem_alloc : memref<!tpu.dma_semaphore, #tpu.memory_space<semaphore_mem>>
        %dma_start3A_37 = arith.constant 0 : i32
        %dma_start3A_38 = arith.constant 0 : i32
        %dma_start3A_39 = tpu.memref_slice %arg10[%dma_start3A_37, %dma_start3A_38] : memref<10112x128xf32, #tpu.memory_space<vmem_shared>> -> memref<10112x128xf32, #tpu.memory_space<vmem_shared>>
        tpu.enqueue_indirect_dma source(%arg9 : memref<128x128xf32, #tpu.memory_space<vmem>>) target(%dma_start3A_39 : memref<10112x128xf32, #tpu.memory_space<vmem_shared>>) offsets(%arg8 : memref<128xi32, #tpu.memory_space<vmem>>) semaphore(%run_scoped3A : memref<!tpu.dma_semaphore, #tpu.memory_space<semaphore_mem>>) {add = true}
        %dma_wait3A_40 = arith.constant 0 : i32
        %dma_wait3A_41 = arith.constant 0 : i32
        %dma_wait3A_42 = tpu.memref_slice %arg10[%dma_wait3A_40, %dma_wait3A_41] : memref<10112x128xf32, #tpu.memory_space<vmem_shared>> -> memref<10112x128xf32, #tpu.memory_space<vmem_shared>>
        tpu.wait_indirect_dma semaphore(%run_scoped3A : memref<!tpu.dma_semaphore, #tpu.memory_space<semaphore_mem>>) src(%arg9 : memref<128x128xf32, #tpu.memory_space<vmem>>) dst(%dma_wait3A_42 : memref<10112x128xf32, #tpu.memory_space<vmem_shared>>)
        tpu.yield
      }) : () -> ()
    }
    %while3A_26 = arith.constant 1 : i32
    scf.for %while3A_28 = %while3A_24 to %while3A_20 step %while3A_26  : i32 {
      %mul3A_29 = arith.muli %while3A_28, %while3A : i32
      %add3A_30 = arith.addi %while3A_17, %mul3A_29 : i32
      %add3A_31 = arith.addi %select_n3A, %add3A_30 : i32
      "tpu.region"() ({
        %run_scoped3A = tpu.sem_alloc : memref<!tpu.dma_semaphore, #tpu.memory_space<semaphore_mem>>
        %dma_start3A_37 = arith.constant 0 : i32
        %dma_start3A_38 = tpu.memref_slice %arg3[%add3A_31, %dma_start3A_37] : memref<2560x128xi32, #tpu.memory_space<hbm>> -> memref<1x128xi32, #tpu.memory_space<hbm>>
        %dma_start3A_39 = tpu.memref_squeeze %dma_start3A_38 : memref<1x128xi32, #tpu.memory_space<hbm>> -> memref<128xi32, #tpu.memory_space<hbm>>
        %dma_start3A_40 = arith.constant 0 : i32
        %dma_start3A_41 = tpu.memref_slice %arg3[%add3A_31, %dma_start3A_40] : memref<2560x128xi32, #tpu.memory_space<hbm>> -> memref<1x128xi32, #tpu.memory_space<hbm>>
        %dma_start3A_42 = tpu.memref_squeeze %dma_start3A_41 : memref<1x128xi32, #tpu.memory_space<hbm>> -> memref<128xi32, #tpu.memory_space<hbm>>
        tpu.enqueue_dma source(%dma_start3A_42 : memref<128xi32, #tpu.memory_space<hbm>>) target(%arg7 : memref<128xi32, #tpu.memory_space<vmem>>) target_semaphore(%run_scoped3A : memref<!tpu.dma_semaphore, #tpu.memory_space<semaphore_mem>>)
        %dma_wait3A_43 = arith.constant 0 : i32
        %dma_wait3A_44 = tpu.memref_slice %arg3[%add3A_31, %dma_wait3A_43] : memref<2560x128xi32, #tpu.memory_space<hbm>> -> memref<1x128xi32, #tpu.memory_space<hbm>>
        %dma_wait3A_45 = tpu.memref_squeeze %dma_wait3A_44 : memref<1x128xi32, #tpu.memory_space<hbm>> -> memref<128xi32, #tpu.memory_space<hbm>>
        %dma_wait3A_46 = arith.constant 0 : i32
        %dma_wait3A_47 = tpu.memref_slice %arg3[%add3A_31, %dma_wait3A_46] : memref<2560x128xi32, #tpu.memory_space<hbm>> -> memref<1x128xi32, #tpu.memory_space<hbm>>
        %dma_wait3A_48 = tpu.memref_squeeze %dma_wait3A_47 : memref<1x128xi32, #tpu.memory_space<hbm>> -> memref<128xi32, #tpu.memory_space<hbm>>
        tpu.wait_dma2 semaphore(%run_scoped3A : memref<!tpu.dma_semaphore, #tpu.memory_space<semaphore_mem>>) src(%dma_wait3A_48 : memref<128xi32, #tpu.memory_space<hbm>>) dst(%arg7 : memref<128xi32, #tpu.memory_space<vmem>>)
        tpu.yield
      }) : () -> ()
      %add3A_32 = arith.addi %select_n3A, %add3A_30 : i32
      "tpu.region"() ({
        %run_scoped3A = tpu.sem_alloc : memref<!tpu.dma_semaphore, #tpu.memory_space<semaphore_mem>>
        %dma_start3A_37 = arith.constant 0 : i32
        %dma_start3A_38 = tpu.memref_slice %arg4[%add3A_32, %dma_start3A_37] : memref<2560x128xi32, #tpu.memory_space<hbm>> -> memref<1x128xi32, #tpu.memory_space<hbm>>
        %dma_start3A_39 = tpu.memref_squeeze %dma_start3A_38 : memref<1x128xi32, #tpu.memory_space<hbm>> -> memref<128xi32, #tpu.memory_space<hbm>>
        %dma_start3A_40 = arith.constant 0 : i32
        %dma_start3A_41 = tpu.memref_slice %arg4[%add3A_32, %dma_start3A_40] : memref<2560x128xi32, #tpu.memory_space<hbm>> -> memref<1x128xi32, #tpu.memory_space<hbm>>
        %dma_start3A_42 = tpu.memref_squeeze %dma_start3A_41 : memref<1x128xi32, #tpu.memory_space<hbm>> -> memref<128xi32, #tpu.memory_space<hbm>>
        tpu.enqueue_dma source(%dma_start3A_42 : memref<128xi32, #tpu.memory_space<hbm>>) target(%arg8 : memref<128xi32, #tpu.memory_space<vmem>>) target_semaphore(%run_scoped3A : memref<!tpu.dma_semaphore, #tpu.memory_space<semaphore_mem>>)
        %dma_wait3A_43 = arith.constant 0 : i32
        %dma_wait3A_44 = tpu.memref_slice %arg4[%add3A_32, %dma_wait3A_43] : memref<2560x128xi32, #tpu.memory_space<hbm>> -> memref<1x128xi32, #tpu.memory_space<hbm>>
        %dma_wait3A_45 = tpu.memref_squeeze %dma_wait3A_44 : memref<1x128xi32, #tpu.memory_space<hbm>> -> memref<128xi32, #tpu.memory_space<hbm>>
        %dma_wait3A_46 = arith.constant 0 : i32
        %dma_wait3A_47 = tpu.memref_slice %arg4[%add3A_32, %dma_wait3A_46] : memref<2560x128xi32, #tpu.memory_space<hbm>> -> memref<1x128xi32, #tpu.memory_space<hbm>>
        %dma_wait3A_48 = tpu.memref_squeeze %dma_wait3A_47 : memref<1x128xi32, #tpu.memory_space<hbm>> -> memref<128xi32, #tpu.memory_space<hbm>>
        tpu.wait_dma2 semaphore(%run_scoped3A : memref<!tpu.dma_semaphore, #tpu.memory_space<semaphore_mem>>) src(%dma_wait3A_48 : memref<128xi32, #tpu.memory_space<hbm>>) dst(%arg8 : memref<128xi32, #tpu.memory_space<vmem>>)
        tpu.yield
      }) : () -> ()
      %dma_start3A = arith.constant 0 : i32
      %dma_start3A_33 = arith.constant 0 : i32
      %dma_start3A_34 = tpu.memref_slice %arg2[%dma_start3A, %dma_start3A_33] : memref<10000x128xf32, #tpu.memory_space<hbm>> -> memref<10000x128xf32, #tpu.memory_space<hbm>>
      tpu.enqueue_indirect_dma source(%dma_start3A_34 : memref<10000x128xf32, #tpu.memory_space<hbm>>) target(%arg9 : memref<128x128xf32, #tpu.memory_space<vmem>>) offsets(%arg7 : memref<128xi32, #tpu.memory_space<vmem>>) semaphore(%arg11 : memref<!tpu.dma_semaphore, #tpu.memory_space<semaphore_mem>>)
      %dma_wait3A = arith.constant 0 : i32
      %dma_wait3A_35 = arith.constant 0 : i32
      %dma_wait3A_36 = tpu.memref_slice %arg2[%dma_wait3A, %dma_wait3A_35] : memref<10000x128xf32, #tpu.memory_space<hbm>> -> memref<10000x128xf32, #tpu.memory_space<hbm>>
      tpu.wait_indirect_dma semaphore(%arg11 : memref<!tpu.dma_semaphore, #tpu.memory_space<semaphore_mem>>) src(%dma_wait3A_36 : memref<10000x128xf32, #tpu.memory_space<hbm>>) dst(%arg9 : memref<128x128xf32, #tpu.memory_space<vmem>>)
      "tpu.region"() ({
        %run_scoped3A = tpu.sem_alloc : memref<!tpu.dma_semaphore, #tpu.memory_space<semaphore_mem>>
        %dma_start3A_37 = arith.constant 0 : i32
        %dma_start3A_38 = arith.constant 0 : i32
        %dma_start3A_39 = tpu.memref_slice %arg10[%dma_start3A_37, %dma_start3A_38] : memref<10112x128xf32, #tpu.memory_space<vmem_shared>> -> memref<10112x128xf32, #tpu.memory_space<vmem_shared>>
        tpu.enqueue_indirect_dma source(%arg9 : memref<128x128xf32, #tpu.memory_space<vmem>>) target(%dma_start3A_39 : memref<10112x128xf32, #tpu.memory_space<vmem_shared>>) offsets(%arg8 : memref<128xi32, #tpu.memory_space<vmem>>) semaphore(%run_scoped3A : memref<!tpu.dma_semaphore, #tpu.memory_space<semaphore_mem>>) {add = true}
        %dma_wait3A_40 = arith.constant 0 : i32
        %dma_wait3A_41 = arith.constant 0 : i32
        %dma_wait3A_42 = tpu.memref_slice %arg10[%dma_wait3A_40, %dma_wait3A_41] : memref<10112x128xf32, #tpu.memory_space<vmem_shared>> -> memref<10112x128xf32, #tpu.memory_space<vmem_shared>>
        tpu.wait_indirect_dma semaphore(%run_scoped3A : memref<!tpu.dma_semaphore, #tpu.memory_space<semaphore_mem>>) src(%arg9 : memref<128x128xf32, #tpu.memory_space<vmem>>) dst(%dma_wait3A_42 : memref<10112x128xf32, #tpu.memory_space<vmem_shared>>)
        tpu.yield
      }) : () -> ()
    }
    %barrier3A_27 = arith.constant 0 : index
    tpu.barrier barrier_id(%barrier3A_27)
    "tpu.region"() ({
      %run_scoped3A = tpu.sem_alloc : memref<!tpu.dma_semaphore, #tpu.memory_space<semaphore_mem>>
      %dma_start3A = arith.constant 0 : i32
      %dma_start3A_28 = tpu.memref_slice %arg6[%arg0, %mul3A_10, %dma_start3A] : memref<2x10112x128xf32, #tpu.memory_space<hbm>> -> memref<1x632x128xf32, #tpu.memory_space<hbm>>
      %dma_start3A_29 = tpu.memref_squeeze %dma_start3A_28 : memref<1x632x128xf32, #tpu.memory_space<hbm>> -> memref<632x128xf32, #tpu.memory_space<hbm>>
      %dma_start3A_30 = arith.constant 0 : i32
      %dma_start3A_31 = tpu.memref_slice %arg10[%mul3A_10, %dma_start3A_30] : memref<10112x128xf32, #tpu.memory_space<vmem_shared>> -> memref<632x128xf32, #tpu.memory_space<vmem_shared>>
      tpu.enqueue_dma source(%dma_start3A_31 : memref<632x128xf32, #tpu.memory_space<vmem_shared>>) target(%dma_start3A_29 : memref<632x128xf32, #tpu.memory_space<hbm>>) target_semaphore(%run_scoped3A : memref<!tpu.dma_semaphore, #tpu.memory_space<semaphore_mem>>)
      %dma_wait3A = arith.constant 0 : i32
      %dma_wait3A_32 = tpu.memref_slice %arg6[%arg0, %mul3A_10, %dma_wait3A] : memref<2x10112x128xf32, #tpu.memory_space<hbm>> -> memref<1x632x128xf32, #tpu.memory_space<hbm>>
      %dma_wait3A_33 = tpu.memref_squeeze %dma_wait3A_32 : memref<1x632x128xf32, #tpu.memory_space<hbm>> -> memref<632x128xf32, #tpu.memory_space<hbm>>
      %dma_wait3A_34 = arith.constant 0 : i32
      %dma_wait3A_35 = tpu.memref_slice %arg10[%mul3A_10, %dma_wait3A_34] : memref<10112x128xf32, #tpu.memory_space<vmem_shared>> -> memref<632x128xf32, #tpu.memory_space<vmem_shared>>
      tpu.wait_dma2 semaphore(%run_scoped3A : memref<!tpu.dma_semaphore, #tpu.memory_space<semaphore_mem>>) src(%dma_wait3A_35 : memref<632x128xf32, #tpu.memory_space<vmem_shared>>) dst(%dma_wait3A_33 : memref<632x128xf32, #tpu.memory_space<hbm>>)
      tpu.yield
    }) : () -> ()
    return
  }
}

module attributes {stable_mosaic.version = 14 : i64} {
  func.func @_layer_body(%arg0: i32, %arg1: memref<2x1000x128xf32, #tpu.memory_space<vmem>>, %arg2: memref<1000x128xf32, #tpu.memory_space<vmem>>, %arg3: memref<1x128xf32, #tpu.memory_space<vmem>>, %arg4: memref<128x128xf32, #tpu.memory_space<vmem>>, %arg5: memref<128x128xf32, #tpu.memory_space<vmem>>, %arg6: memref<1000x128xf32, #tpu.memory_space<vmem>>) attributes {dimension_semantics = [#tpu.dimension_semantics<arbitrary>], iteration_bounds = array<i64: 10>, scalar_prefetch = 0 : i64, scratch_operands = 0 : i64, tpu.core_type = #tpu.core_type<tc>, window_params = [{transform_indices = @transform_0, window_bounds = array<i64: 2, 1000, 128>}, {transform_indices = @transform_1, window_bounds = array<i64: 1000, 128>}, {pipeline_mode = #tpu.pipeline_mode<synchronous>, transform_indices = @transform_2, window_bounds = array<i64: 1, 128>}, {pipeline_mode = #tpu.pipeline_mode<synchronous>, transform_indices = @transform_3, window_bounds = array<i64: 128, 128>}, {pipeline_mode = #tpu.pipeline_mode<synchronous>, transform_indices = @transform_4, window_bounds = array<i64: 128, 128>}, {transform_indices = @transform_5, window_bounds = array<i64: 1000, 128>}]} {
    %get3A = arith.constant 0 : index
    %get3A_0 = arith.constant 0 : index
    %get3A_1 = arith.constant 0 : index
    %get3A_2 = vector.load %arg1[%get3A, %get3A_0, %get3A_1] : memref<2x1000x128xf32, #tpu.memory_space<vmem>>, vector<1x1000x128xf32>
    %get3A_3 = vector.shape_cast %get3A_2 : vector<1x1000x128xf32> to vector<1000x128xf32>
    %get3A_4 = arith.constant 1 : index
    %get3A_5 = arith.constant 0 : index
    %get3A_6 = arith.constant 0 : index
    %get3A_7 = vector.load %arg1[%get3A_4, %get3A_5, %get3A_6] : memref<2x1000x128xf32, #tpu.memory_space<vmem>>, vector<1x1000x128xf32>
    %get3A_8 = vector.shape_cast %get3A_7 : vector<1x1000x128xf32> to vector<1000x128xf32>
    %add3A = arith.addf %get3A_3, %get3A_8 : vector<1000x128xf32>
    %get3A_9 = arith.constant 0 : index
    %get3A_10 = arith.constant 0 : index
    %get3A_11 = vector.load %arg4[%get3A_9, %get3A_10] : memref<128x128xf32, #tpu.memory_space<vmem>>, vector<128x128xf32>
    %dot_general3A = arith.constant dense<0.000000e+00> : vector<1000x128xf32>
    %dot_general3A_12 = tpu.matmul %add3A, %get3A_11, %dot_general3A {dimension_numbers = #tpu.dot_dimension_numbers<[1], [1], [0], [0], [0, 0, 1, 0], [], []>, transpose_lhs_hint = false} : vector<1000x128xf32>, vector<128x128xf32>, vector<1000x128xf32> -> vector<1000x128xf32>
    %get3A_13 = arith.constant 0 : index
    %get3A_14 = arith.constant 0 : index
    %get3A_15 = vector.load %arg3[%get3A_13, %get3A_14] : memref<1x128xf32, #tpu.memory_space<vmem>>, vector<1x128xf32>
    %add3A_16 = vector.broadcast %get3A_15 : vector<1x128xf32> to vector<1000x128xf32>
    %add3A_17 = arith.addf %dot_general3A_12, %add3A_16 : vector<1000x128xf32>
    %get3A_18 = arith.constant 0 : index
    %get3A_19 = arith.constant 0 : index
    %get3A_20 = vector.load %arg2[%get3A_18, %get3A_19] : memref<1000x128xf32, #tpu.memory_space<vmem>>, vector<1000x128xf32>
    %get3A_21 = arith.constant 0 : index
    %get3A_22 = arith.constant 0 : index
    %get3A_23 = vector.load %arg5[%get3A_21, %get3A_22] : memref<128x128xf32, #tpu.memory_space<vmem>>, vector<128x128xf32>
    %dot_general3A_24 = arith.constant dense<0.000000e+00> : vector<1000x128xf32>
    %dot_general3A_25 = tpu.matmul %get3A_20, %get3A_23, %dot_general3A_24 {dimension_numbers = #tpu.dot_dimension_numbers<[1], [1], [0], [0], [0, 0, 1, 0], [], []>, transpose_lhs_hint = false} : vector<1000x128xf32>, vector<128x128xf32>, vector<1000x128xf32> -> vector<1000x128xf32>
    %add3A_26 = arith.addf %add3A_17, %dot_general3A_25 : vector<1000x128xf32>
    %ge3A = arith.constant 0.000000e+00 : f32
    %ge3A_27 = vector.broadcast %ge3A : f32 to vector<1000x128xf32>
    %ge3A_28 = arith.cmpf oge, %add3A_26, %ge3A_27 : vector<1000x128xf32>
    %mul3A = arith.constant 0.00999999977 : f32
    %mul3A_29 = vector.broadcast %mul3A : f32 to vector<1000x128xf32>
    %mul3A_30 = arith.mulf %mul3A_29, %add3A_26 : vector<1000x128xf32>
    %select_n3A = arith.select %ge3A_28, %add3A_26, %mul3A_30 : vector<1000x128xi1>, vector<1000x128xf32>
    %swap3A = arith.constant 0 : index
    %swap3A_31 = arith.constant 0 : index
    %swap3A_32 = vector.load %arg6[%swap3A, %swap3A_31] : memref<1000x128xf32, #tpu.memory_space<vmem>>, vector<1000x128xf32>
    tpu.vector_store %arg6[%swap3A, %swap3A_31], %select_n3A {strides = array<i32>} : memref<1000x128xf32, #tpu.memory_space<vmem>>, vector<1000x128xf32>,
    return
  }
  func.func @transform_0(%arg0: i32) -> (i32, i32, i32) {
    %c0_i32 = arith.constant 0 : i32
    %c0_i32_0 = arith.constant 0 : i32
    %c0_i32_1 = arith.constant 0 : i32
    return %c0_i32, %arg0, %c0_i32_0 : i32, i32, i32
  }
  func.func @transform_1(%arg0: i32) -> (i32, i32) {
    %c0_i32 = arith.constant 0 : i32
    %c0_i32_0 = arith.constant 0 : i32
    return %arg0, %c0_i32 : i32, i32
  }
  func.func @transform_2(%arg0: i32) -> (i32, i32) {
    %c0_i32 = arith.constant 0 : i32
    %c0_i32_0 = arith.constant 0 : i32
    %c0_i32_1 = arith.constant 0 : i32
    return %c0_i32, %c0_i32_0 : i32, i32
  }
  func.func @transform_3(%arg0: i32) -> (i32, i32) {
    %c0_i32 = arith.constant 0 : i32
    %c0_i32_0 = arith.constant 0 : i32
    %c0_i32_1 = arith.constant 0 : i32
    return %c0_i32, %c0_i32_0 : i32, i32
  }
  func.func @transform_4(%arg0: i32) -> (i32, i32) {
    %c0_i32 = arith.constant 0 : i32
    %c0_i32_0 = arith.constant 0 : i32
    %c0_i32_1 = arith.constant 0 : i32
    return %c0_i32, %c0_i32_0 : i32, i32
  }
  func.func @transform_5(%arg0: i32) -> (i32, i32) {
    %c0_i32 = arith.constant 0 : i32
    %c0_i32_0 = arith.constant 0 : i32
    return %arg0, %c0_i32 : i32, i32
  }
}

module attributes {stable_mosaic.version = 14 : i64} {
  func.func @_layer_skip_body(%arg0: i32, %arg1: memref<2x1000x128xf32, #tpu.memory_space<vmem>>, %arg2: memref<1000x128xf32, #tpu.memory_space<vmem>>, %arg3: memref<1x128xf32, #tpu.memory_space<vmem>>, %arg4: memref<128x128xf32, #tpu.memory_space<vmem>>, %arg5: memref<128x128xf32, #tpu.memory_space<vmem>>, %arg6: memref<16x128xf32, #tpu.memory_space<vmem>>, %arg7: memref<1000x128xf32, #tpu.memory_space<vmem>>, %arg8: memref<1000x16xf32, #tpu.memory_space<vmem>>) attributes {dimension_semantics = [#tpu.dimension_semantics<arbitrary>], iteration_bounds = array<i64: 10>, scalar_prefetch = 0 : i64, scratch_operands = 0 : i64, tpu.core_type = #tpu.core_type<tc>, window_params = [{transform_indices = @transform_0, window_bounds = array<i64: 2, 1000, 128>}, {transform_indices = @transform_1, window_bounds = array<i64: 1000, 128>}, {pipeline_mode = #tpu.pipeline_mode<synchronous>, transform_indices = @transform_2, window_bounds = array<i64: 1, 128>}, {pipeline_mode = #tpu.pipeline_mode<synchronous>, transform_indices = @transform_3, window_bounds = array<i64: 128, 128>}, {pipeline_mode = #tpu.pipeline_mode<synchronous>, transform_indices = @transform_4, window_bounds = array<i64: 128, 128>}, {pipeline_mode = #tpu.pipeline_mode<synchronous>, transform_indices = @transform_5, window_bounds = array<i64: 16, 128>}, {transform_indices = @transform_6, window_bounds = array<i64: 1000, 128>}, {transform_indices = @transform_7, window_bounds = array<i64: 1000, 16>}]} {
    %get3A = arith.constant 0 : index
    %get3A_0 = arith.constant 0 : index
    %get3A_1 = arith.constant 0 : index
    %get3A_2 = vector.load %arg1[%get3A, %get3A_0, %get3A_1] : memref<2x1000x128xf32, #tpu.memory_space<vmem>>, vector<1x1000x128xf32>
    %get3A_3 = vector.shape_cast %get3A_2 : vector<1x1000x128xf32> to vector<1000x128xf32>
    %get3A_4 = arith.constant 1 : index
    %get3A_5 = arith.constant 0 : index
    %get3A_6 = arith.constant 0 : index
    %get3A_7 = vector.load %arg1[%get3A_4, %get3A_5, %get3A_6] : memref<2x1000x128xf32, #tpu.memory_space<vmem>>, vector<1x1000x128xf32>
    %get3A_8 = vector.shape_cast %get3A_7 : vector<1x1000x128xf32> to vector<1000x128xf32>
    %add3A = arith.addf %get3A_3, %get3A_8 : vector<1000x128xf32>
    %get3A_9 = arith.constant 0 : index
    %get3A_10 = arith.constant 0 : index
    %get3A_11 = vector.load %arg4[%get3A_9, %get3A_10] : memref<128x128xf32, #tpu.memory_space<vmem>>, vector<128x128xf32>
    %dot_general3A = arith.constant dense<0.000000e+00> : vector<1000x128xf32>
    %dot_general3A_12 = tpu.matmul %add3A, %get3A_11, %dot_general3A {dimension_numbers = #tpu.dot_dimension_numbers<[1], [1], [0], [0], [0, 0, 1, 0], [], []>, transpose_lhs_hint = false} : vector<1000x128xf32>, vector<128x128xf32>, vector<1000x128xf32> -> vector<1000x128xf32>
    %get3A_13 = arith.constant 0 : index
    %get3A_14 = arith.constant 0 : index
    %get3A_15 = vector.load %arg3[%get3A_13, %get3A_14] : memref<1x128xf32, #tpu.memory_space<vmem>>, vector<1x128xf32>
    %add3A_16 = vector.broadcast %get3A_15 : vector<1x128xf32> to vector<1000x128xf32>
    %add3A_17 = arith.addf %dot_general3A_12, %add3A_16 : vector<1000x128xf32>
    %get3A_18 = arith.constant 0 : index
    %get3A_19 = arith.constant 0 : index
    %get3A_20 = vector.load %arg2[%get3A_18, %get3A_19] : memref<1000x128xf32, #tpu.memory_space<vmem>>, vector<1000x128xf32>
    %get3A_21 = arith.constant 0 : index
    %get3A_22 = arith.constant 0 : index
    %get3A_23 = vector.load %arg5[%get3A_21, %get3A_22] : memref<128x128xf32, #tpu.memory_space<vmem>>, vector<128x128xf32>
    %dot_general3A_24 = arith.constant dense<0.000000e+00> : vector<1000x128xf32>
    %dot_general3A_25 = tpu.matmul %get3A_20, %get3A_23, %dot_general3A_24 {dimension_numbers = #tpu.dot_dimension_numbers<[1], [1], [0], [0], [0, 0, 1, 0], [], []>, transpose_lhs_hint = false} : vector<1000x128xf32>, vector<128x128xf32>, vector<1000x128xf32> -> vector<1000x128xf32>
    %add3A_26 = arith.addf %add3A_17, %dot_general3A_25 : vector<1000x128xf32>
    %ge3A = arith.constant 0.000000e+00 : f32
    %ge3A_27 = vector.broadcast %ge3A : f32 to vector<1000x128xf32>
    %ge3A_28 = arith.cmpf oge, %add3A_26, %ge3A_27 : vector<1000x128xf32>
    %mul3A = arith.constant 0.00999999977 : f32
    %mul3A_29 = vector.broadcast %mul3A : f32 to vector<1000x128xf32>
    %mul3A_30 = arith.mulf %mul3A_29, %add3A_26 : vector<1000x128xf32>
    %select_n3A = arith.select %ge3A_28, %add3A_26, %mul3A_30 : vector<1000x128xi1>, vector<1000x128xf32>
    %get3A_31 = arith.constant 0 : index
    %get3A_32 = arith.constant 0 : index
    %get3A_33 = vector.load %arg2[%get3A_31, %get3A_32] : memref<1000x128xf32, #tpu.memory_space<vmem>>, vector<1000x128xf32>
    %add3A_34 = arith.addf %select_n3A, %get3A_33 : vector<1000x128xf32>
    %swap3A = arith.constant 0 : index
    %swap3A_35 = arith.constant 0 : index
    %swap3A_36 = vector.load %arg7[%swap3A, %swap3A_35] : memref<1000x128xf32, #tpu.memory_space<vmem>>, vector<1000x128xf32>
    tpu.vector_store %arg7[%swap3A, %swap3A_35], %add3A_34 {strides = array<i32>} : memref<1000x128xf32, #tpu.memory_space<vmem>>, vector<1000x128xf32>,
    %get3A_37 = arith.constant 0 : index
    %get3A_38 = arith.constant 0 : index
    %get3A_39 = vector.load %arg6[%get3A_37, %get3A_38] : memref<16x128xf32, #tpu.memory_space<vmem>>, vector<16x128xf32>
    %dot_general3A_40 = arith.constant dense<0.000000e+00> : vector<1000x16xf32>
    %dot_general3A_41 = tpu.matmul %add3A_34, %get3A_39, %dot_general3A_40 {dimension_numbers = #tpu.dot_dimension_numbers<[1], [1], [0], [0], [0, 0, 1, 0], [], []>, transpose_lhs_hint = false} : vector<1000x128xf32>, vector<16x128xf32>, vector<1000x16xf32> -> vector<1000x16xf32>
    %swap3A_42 = arith.constant 0 : index
    %swap3A_43 = arith.constant 0 : index
    %swap3A_44 = vector.load %arg8[%swap3A_42, %swap3A_43] : memref<1000x16xf32, #tpu.memory_space<vmem>>, vector<1000x16xf32>
    tpu.vector_store %arg8[%swap3A_42, %swap3A_43], %dot_general3A_41 {strides = array<i32>} : memref<1000x16xf32, #tpu.memory_space<vmem>>, vector<1000x16xf32>,
    return
  }
  func.func @transform_0(%arg0: i32) -> (i32, i32, i32) {
    %c0_i32 = arith.constant 0 : i32
    %c0_i32_0 = arith.constant 0 : i32
    %c0_i32_1 = arith.constant 0 : i32
    return %c0_i32, %arg0, %c0_i32_0 : i32, i32, i32
  }
  func.func @transform_1(%arg0: i32) -> (i32, i32) {
    %c0_i32 = arith.constant 0 : i32
    %c0_i32_0 = arith.constant 0 : i32
    return %arg0, %c0_i32 : i32, i32
  }
  func.func @transform_2(%arg0: i32) -> (i32, i32) {
    %c0_i32 = arith.constant 0 : i32
    %c0_i32_0 = arith.constant 0 : i32
    %c0_i32_1 = arith.constant 0 : i32
    return %c0_i32, %c0_i32_0 : i32, i32
  }
  func.func @transform_3(%arg0: i32) -> (i32, i32) {
    %c0_i32 = arith.constant 0 : i32
    %c0_i32_0 = arith.constant 0 : i32
    %c0_i32_1 = arith.constant 0 : i32
    return %c0_i32, %c0_i32_0 : i32, i32
  }
  func.func @transform_4(%arg0: i32) -> (i32, i32) {
    %c0_i32 = arith.constant 0 : i32
    %c0_i32_0 = arith.constant 0 : i32
    %c0_i32_1 = arith.constant 0 : i32
    return %c0_i32, %c0_i32_0 : i32, i32
  }
  func.func @transform_5(%arg0: i32) -> (i32, i32) {
    %c0_i32 = arith.constant 0 : i32
    %c0_i32_0 = arith.constant 0 : i32
    %c0_i32_1 = arith.constant 0 : i32
    return %c0_i32, %c0_i32_0 : i32, i32
  }
  func.func @transform_6(%arg0: i32) -> (i32, i32) {
    %c0_i32 = arith.constant 0 : i32
    %c0_i32_0 = arith.constant 0 : i32
    return %arg0, %c0_i32 : i32, i32
  }
  func.func @transform_7(%arg0: i32) -> (i32, i32) {
    %c0_i32 = arith.constant 0 : i32
    %c0_i32_0 = arith.constant 0 : i32
    return %arg0, %c0_i32 : i32, i32
  }
}

module attributes {stable_mosaic.version = 14 : i64} {
  func.func @_final_body(%arg0: i32, %arg1: memref<2x1000x16xf32, #tpu.memory_space<vmem>>, %arg2: memref<1000x128xf32, #tpu.memory_space<vmem>>, %arg3: memref<1x16xf32, #tpu.memory_space<vmem>>, %arg4: memref<16x128xf32, #tpu.memory_space<vmem>>, %arg5: memref<1000x16xf32, #tpu.memory_space<vmem>>) attributes {dimension_semantics = [#tpu.dimension_semantics<arbitrary>], iteration_bounds = array<i64: 10>, scalar_prefetch = 0 : i64, scratch_operands = 0 : i64, tpu.core_type = #tpu.core_type<tc>, window_params = [{transform_indices = @transform_0, window_bounds = array<i64: 2, 1000, 16>}, {transform_indices = @transform_1, window_bounds = array<i64: 1000, 128>}, {pipeline_mode = #tpu.pipeline_mode<synchronous>, transform_indices = @transform_2, window_bounds = array<i64: 1, 16>}, {pipeline_mode = #tpu.pipeline_mode<synchronous>, transform_indices = @transform_3, window_bounds = array<i64: 16, 128>}, {transform_indices = @transform_4, window_bounds = array<i64: 1000, 16>}]} {
    %get3A = arith.constant 0 : index
    %get3A_0 = arith.constant 0 : index
    %get3A_1 = arith.constant 0 : index
    %get3A_2 = vector.load %arg1[%get3A, %get3A_0, %get3A_1] : memref<2x1000x16xf32, #tpu.memory_space<vmem>>, vector<1x1000x16xf32>
    %get3A_3 = vector.shape_cast %get3A_2 : vector<1x1000x16xf32> to vector<1000x16xf32>
    %get3A_4 = arith.constant 1 : index
    %get3A_5 = arith.constant 0 : index
    %get3A_6 = arith.constant 0 : index
    %get3A_7 = vector.load %arg1[%get3A_4, %get3A_5, %get3A_6] : memref<2x1000x16xf32, #tpu.memory_space<vmem>>, vector<1x1000x16xf32>
    %get3A_8 = vector.shape_cast %get3A_7 : vector<1x1000x16xf32> to vector<1000x16xf32>
    %add3A = arith.addf %get3A_3, %get3A_8 : vector<1000x16xf32>
    %get3A_9 = arith.constant 0 : index
    %get3A_10 = arith.constant 0 : index
    %get3A_11 = vector.load %arg3[%get3A_9, %get3A_10] : memref<1x16xf32, #tpu.memory_space<vmem>>, vector<1x16xf32>
    %add3A_12 = vector.broadcast %get3A_11 : vector<1x16xf32> to vector<1000x16xf32>
    %add3A_13 = arith.addf %add3A, %add3A_12 : vector<1000x16xf32>
    %get3A_14 = arith.constant 0 : index
    %get3A_15 = arith.constant 0 : index
    %get3A_16 = vector.load %arg2[%get3A_14, %get3A_15] : memref<1000x128xf32, #tpu.memory_space<vmem>>, vector<1000x128xf32>
    %get3A_17 = arith.constant 0 : index
    %get3A_18 = arith.constant 0 : index
    %get3A_19 = vector.load %arg4[%get3A_17, %get3A_18] : memref<16x128xf32, #tpu.memory_space<vmem>>, vector<16x128xf32>
    %dot_general3A = arith.constant dense<0.000000e+00> : vector<1000x16xf32>
    %dot_general3A_20 = tpu.matmul %get3A_16, %get3A_19, %dot_general3A {dimension_numbers = #tpu.dot_dimension_numbers<[1], [1], [0], [0], [0, 0, 1, 0], [], []>, transpose_lhs_hint = false} : vector<1000x128xf32>, vector<16x128xf32>, vector<1000x16xf32> -> vector<1000x16xf32>
    %add3A_21 = arith.addf %add3A_13, %dot_general3A_20 : vector<1000x16xf32>
    %ge3A = arith.constant 0.000000e+00 : f32
    %ge3A_22 = vector.broadcast %ge3A : f32 to vector<1000x16xf32>
    %ge3A_23 = arith.cmpf oge, %add3A_21, %ge3A_22 : vector<1000x16xf32>
    %mul3A = arith.constant 0.00999999977 : f32
    %mul3A_24 = vector.broadcast %mul3A : f32 to vector<1000x16xf32>
    %mul3A_25 = arith.mulf %mul3A_24, %add3A_21 : vector<1000x16xf32>
    %select_n3A = arith.select %ge3A_23, %add3A_21, %mul3A_25 : vector<1000x16xi1>, vector<1000x16xf32>
    %swap3A = arith.constant 0 : index
    %swap3A_26 = arith.constant 0 : index
    %swap3A_27 = vector.load %arg5[%swap3A, %swap3A_26] : memref<1000x16xf32, #tpu.memory_space<vmem>>, vector<1000x16xf32>
    tpu.vector_store %arg5[%swap3A, %swap3A_26], %select_n3A {strides = array<i32>} : memref<1000x16xf32, #tpu.memory_space<vmem>>, vector<1000x16xf32>,
    return
  }
  func.func @transform_0(%arg0: i32) -> (i32, i32, i32) {
    %c0_i32 = arith.constant 0 : i32
    %c0_i32_0 = arith.constant 0 : i32
    %c0_i32_1 = arith.constant 0 : i32
    return %c0_i32, %arg0, %c0_i32_0 : i32, i32, i32
  }
  func.func @transform_1(%arg0: i32) -> (i32, i32) {
    %c0_i32 = arith.constant 0 : i32
    %c0_i32_0 = arith.constant 0 : i32
    return %arg0, %c0_i32 : i32, i32
  }
  func.func @transform_2(%arg0: i32) -> (i32, i32) {
    %c0_i32 = arith.constant 0 : i32
    %c0_i32_0 = arith.constant 0 : i32
    %c0_i32_1 = arith.constant 0 : i32
    return %c0_i32, %c0_i32_0 : i32, i32
  }
  func.func @transform_3(%arg0: i32) -> (i32, i32) {
    %c0_i32 = arith.constant 0 : i32
    %c0_i32_0 = arith.constant 0 : i32
    %c0_i32_1 = arith.constant 0 : i32
    return %c0_i32, %c0_i32_0 : i32, i32
  }
  func.func @transform_4(%arg0: i32) -> (i32, i32) {
    %c0_i32 = arith.constant 0 : i32
    %c0_i32_0 = arith.constant 0 : i32
    return %arg0, %c0_i32 : i32, i32
  }
}

</mosaic_0001>

<sc_bundles>
// kernel: kernel.11.cloned.1.call-start
scs
__scs_entry_jumppad:
0x0: {  	(pc) =	sbr.rel $0x88, $3  }
0x1: {  	(tag) =	ssettag $0x0;
	lr =	simm.s32 $0x1  }
0x2: {  	[smem:$0x3F96] =	sst lr;
	_ =	strace $0xD0000000  }
0x3: {  	_ = 	snop  }
0x4: {  	_ = 	snop  }
0x5: {  	_ = 	snop  }
0x6: {  	_ = 	snop  }
0x7: {  	_ = 	snop  }
__scs_overlays_trampoline_lowered:
0x8: {  	[smem:$0x3FA5] =	sst s0  }
0x9: {  	[smem:$0x3FA6] =	sst s1  }
0xa: {  	[smem:$0x3FA7] =	sst s2  }
0xb: {  	[smem:$0x3FA8] =	sst s3  }
0xc: {  	[smem:$0x3FA9] =	sst s4  }
0xd: {  	[smem:$0x3FAA] =	sst s5  }
0xe: {  	[smem:$0x3FAB] =	sst s6  }
0xf: {  	[smem:$0x3FAC] =	sst s7  }
0x10: {  	[smem:$0x3FAD] =	sst s8  }
0x11: {  	[smem:$0x3FAE] =	sst s9;
	s0 =	simm.s32 @!p0 $0x0  }
0x12: {  	s1 =	sld [smem:$0x3F94];
	s0 =	simm.s32 @p0 $0x1  }
0x13: {  	[smem:$0x3FAF] =	sst s0;
	s0 =	simm.s32 @!p1 $0x0  }
0x14: {  	s2 =	sld [smem:$0x3F93];
	s0 =	simm.s32 @p1 $0x1  }
0x15: {  	[smem:$0x3FB0] =	sst s0;
	s0 =	simm.s32 @!p2 $0x0  }
0x16: {  	s3 =	sld [smem:$0x3FDB];
	s0 =	simm.s32 @p2 $0x1  }
0x17: {  	s4 =	simm.s32 $0x1BF5;
	[smem:$0x3FB2] =	sst s0  }
0x18: {  	s0 =	sld [smem:$0x3F95];
	_ =	swait.ge [sflag:s4], $0x0  }
0x19: {  	s7 =	sld [smem:$0x3F96]  }
0x1a: {  	s8 =	sadd.s32 $0xFFFFE003, lr  }
0x1b: {  	s9 =	sadd.s32 $0xFFFFFEF7, lr;
	s5 =	simm.s32 $0xFFFFFFFF;
	p2 =	slt.u32 s8, $0xFFFFF086  }
0x1c: {  	p1 =	slt.u32 s9, $0xF7A;
	s5 =	simm.s32 @!p2 $0x0  }
0x1d: {  	s5 =	simm.s32 @p1 $0x1;
	p0 =	seq.s32 s7, s2  }
0x1e: {  	s7 =	smul.u32 @!p0 $0xF7A, s2;
	p2 =	seq.s32 @!p0 s5, $0x0  }
0x1f: {  	s9 =	smul.u32 $0xF7A, s1;
	s8 =	simm.s32 @!p0 $0x1BF5;
	p2 =	por !p2, p0  }
0x20: {  	[sflag:s8] =	ssyncset.s32 @!p0 $0xFFFFF086;
	s6 =	sadd.s32 @!p0 s3, s7;
	s7 =	simm.s32 @!p0 $0x108  }
0x21: {  	s3 =	sadd.s32 s3, s9;
	s6 =	sadd.s32 @!p0 $0x88, s6;
	s7 =	simm.s32 @p2 $0x1082  }
0x22: {  	[simem:s7], [sflag:s8] =	dma.local @!p0 [hbm:s6], $0xF7A  }
0x23: {  	s9 =	sor.u32 $0xD0000000, s2;
	s6 =	simm.s32 $0x108;
	_ =	swait.ge @!p0 [sflag:s8], $0x0  }
0x24: {  	s3 =	sadd.s32 $0x88, s3;
	s6 =	simm.s32 @!p1 $0x1082;
	[sflag:s4] =	ssyncset.s32 $0xFFFFF086  }
0x25: {  	[simem:s6], [sflag:s4] =	dma.local [hbm:s3], $0xF7A  }
0x26: {  	[smem:$0x3F96] =	sst s1;
	(tag) =	ssettag s2;
	_ =	strace s9  }
0x27: {  	s1 =	sld [smem:$0x3FA6]  }
0x28: {  	s2 =	sld [smem:$0x3FA7]  }
0x29: {  	s4 =	sld [smem:$0x3FA9]  }
0x2a: {  	p0 =	seq.s32 s5, $0x0;
	s5 =	sld [smem:$0x3FAA]  }
0x2b: {  	s6 =	sld [smem:$0x3FAB]  }
0x2c: {  	s7 =	sld [smem:$0x3FAC]  }
0x2d: {  	s3 =	simm.s32 $0x108;
	s8 =	sld [smem:$0x3FAD]  }
0x2e: {  	s3 =	simm.s32 @!p0 $0x1082;
	s9 =	sld [smem:$0x3FAE]  }
0x2f: {  	lr =	sadd.s32 s0, s3;
	s0 =	sld [smem:$0x3FA5]  }
0x30: {  	s3 =	sld [smem:$0x3FA8]  }
0x31: {  	[smem:$0x3FB1] =	sst s10  }
0x32: {  	s10 =	sld [smem:$0x3FAF];
	_ =	sdelay $0x3  }
0x33: {  	p0 =	seq.s32 s10, $0x1;
	s10 =	sld [smem:$0x3FB1];
	_ =	sdelay $0x3  }
0x34: {  	[smem:$0x3FB1] =	sst s10  }
0x35: {  	s10 =	sld [smem:$0x3FB0];
	_ =	sdelay $0x3  }
0x36: {  	p1 =	seq.s32 s10, $0x1;
	s10 =	sld [smem:$0x3FB1];
	_ =	sdelay $0x3  }
0x37: {  	[smem:$0x3FB1] =	sst s10  }
0x38: {  	s10 =	sld [smem:$0x3FB2]  }
0x39: {  	_ = 	snop;
	(pc) =	sbr.ind lr, $3  }
0x3a: {  	_ = 	snop  }
0x3b: {  	_ = 	snop  }
0x3c: {  	p2 =	seq.s32 s10, $0x1;
	s10 =	sld [smem:$0x3FB1]  }
0x3d: {  	_ =	shalt  }
0x3e: {  	_ =	shalt  }
0x3f: {  	_ =	shalt  }
0x40: {  	_ =	shalt  }
0x41: {  	_ =	shalt  }
0x42: {  	_ =	shalt  }
0x43: {  	_ =	shalt  }
0x44: {  	_ =	shalt  }
0x45: {  	_ =	shalt  }
0x46: {  	_ =	shalt  }
0x47: {  	_ =	shalt  }
0x48: {  	_ =	shalt  }
0x49: {  	_ =	shalt  }
0x4a: {  	_ =	shalt  }
0x4b: {  	_ =	shalt  }
0x4c: {  	_ =	shalt  }
0x4d: {  	_ =	shalt  }
0x4e: {  	_ =	shalt  }
0x4f: {  	_ =	shalt  }
0x50: {  	_ =	shalt  }
0x51: {  	_ =	shalt  }
0x52: {  	_ =	shalt  }
0x53: {  	_ =	shalt  }
0x54: {  	_ =	shalt  }
0x55: {  	_ =	shalt  }
0x56: {  	_ =	shalt  }
0x57: {  	_ =	shalt  }
0x58: {  	_ =	shalt  }
0x59: {  	_ =	shalt  }
0x5a: {  	_ =	shalt  }
0x5b: {  	_ =	shalt  }
0x5c: {  	_ =	shalt  }
0x5d: {  	_ =	shalt  }
0x5e: {  	_ =	shalt  }
0x5f: {  	_ =	shalt  }
0x60: {  	_ =	shalt  }
0x61: {  	_ =	shalt  }
0x62: {  	_ =	shalt  }
0x63: {  	_ =	shalt  }
0x64: {  	_ =	shalt  }
0x65: {  	_ =	shalt  }
0x66: {  	_ =	shalt  }
0x67: {  	_ =	shalt  }
0x68: {  	_ =	shalt  }
0x69: {  	_ =	shalt  }
0x6a: {  	_ =	shalt  }
0x6b: {  	_ =	shalt  }
0x6c: {  	_ =	shalt  }
0x6d: {  	_ =	shalt  }
0x6e: {  	_ =	shalt  }
0x6f: {  	_ =	shalt  }
0x70: {  	_ =	shalt  }
0x71: {  	_ =	shalt  }
0x72: {  	_ =	shalt  }
0x73: {  	_ =	shalt  }
0x74: {  	_ =	shalt  }
0x75: {  	_ =	shalt  }
0x76: {  	_ =	shalt  }
0x77: {  	_ =	shalt  }
0x78: {  	_ =	shalt  }
0x79: {  	_ =	shalt  }
0x7a: {  	_ =	shalt  }
0x7b: {  	_ =	shalt  }
0x7c: {  	_ =	shalt  }
0x7d: {  	_ =	shalt  }
0x7e: {  	_ =	shalt  }
0x7f: {  	_ =	shalt  }
0x80: {  	_ =	shalt  }
0x81: {  	_ =	shalt  }
0x82: {  	_ =	shalt  }
0x83: {  	_ =	shalt  }
0x84: {  	_ =	shalt  }
0x85: {  	_ =	shalt  }
0x86: {  	_ =	shalt  }
0x87: {  	_ =	shalt  }
.Lfunc_end0:
.L_simem_size_0:
called_computation.1_lowered:
.L_overlay_start_0:
0x88: {  	s2 =	sld [smem:$0x3FD9]  }
0x89: {  	s3 =	sld [smem:$0x3FFE];
	_ =	sdelay $0x1  }
0x8a: {  	s1 =	srdreg.scid  }
0x8b: {  	s0 =	sand.u32 $0x1, s1  }
0x8c: {  	s16 =	sshll.u32 s0, $0xA;
	s2 =	sadd.s32 s3, s2  }
0x8d: {  	s2 =	sadd.s32 s2, s16  }
0x8e: {  	[smem:$0x3FBD] =	sst s2  }
0x8f: {  	_ = 	snop  }
0x90: {  	(tm) =	ssettm $0x1  }
0x91: {  	s17 =	sld [smem:$0x3FFB];
	_ =	sdelay $0x3  }
0x92: {  	_ =	strace s17  }
0x93: {  	s2 =	sld [smem:$0x3FFC];
	_ =	sdelay $0x3  }
0x94: {  	_ =	strace s2  }
0x95: {  	s2 =	sld [smem:$0x3FFD];
	_ =	sdelay $0x3  }
0x96: {  	_ =	strace s2  }
0x97: {  	_ =	strace $0x8FFFFFFF  }
0x98: {  	s18 =	sld [smem:$0x3FDB];
	_ =	sdelay $0x1  }
0x99: {  	s19 =	simm.s32 $_scs_section_size  }
0x9a: {  	s4 =	simm.s32 $_size__tile_overlayer_lowered;
	s5 =	simm.s32 $_tile_overlayer_lowered  }
0x9b: {  	s22 =	simm.s32 $0x1BFF;
	s21 =	sshll.u32 s5, $0x1;
	s2 =	sadd.s32 s19, s18  }
0x9c: {  	s6 =	simm.s32 $0x0;
	s20 =	sshll.u32 s4, $0x1;
	s4 =	sadd.s32 s21, s2  }
0x9d: {  	[timem:s6], [sflag:s22] =	dma.local [hbm:s4], s20  }
0x9e: {  	_ =	swait.ge [sflag:s22], s20  }
0x9f: {  	s3 =	ssub.s32 $0x0, s20;
	[sflag:s22] =	ssyncset.done $0x0  }
0xa0: {  	[sflag:s22] =	ssyncadd.s32 s3;
	_ =	sdelay $0x1  }
0xa1: {  	s23 =	simm.s32 $0x1B8B  }
0xa2: {  	_ =	swait.ge [sflag:s23], $0x1  }
0xa3: {  	[sflag:s23] =	ssyncset.done $0x0  }
0xa4: {  	s25 =	simm.s32 $0x1B8E;
	s24 =	sld [smem:$0x3FFE];
	[sflag:s23] =	ssyncadd.s32 $0xFFFFFFFF  }
0xa5: {  	s26 =	simm.s32 $execute0_lowered;
	[smem:$0x3FD2] =	sst s25  }
0xa6: {  	s4 =	sshll.u32 s26, $0x1;
	_ =	strace $0x80000049;
	[dreg:$0x1] =	wrdreg $0xFFFFFFFF  }
0xa7: {  	s28 =	simm.s32 $_size_execute0_lowered;
	s2 =	sadd.s32 s2, s4;
	[dreg:$0x0] =	wrdreg $0x0  }
0xa8: {  	s4 =	sshll.u32 s28, $0x1;
	[dreg:$0x2] =	wrdreg s2  }
0xa9: {  	[dreg:$0x3] =	wrdreg s4  }
0xaa: {  	[dreg:$0x4] =	wrdreg $0xC0  }
0xab: {  	_ =	task [dreg:s6], $0x5FFFF  }
0xac: {  	[dreg:$0x1] =	wrdreg $0xFFFFFFFF  }
0xad: {  	[dreg:$0x0] =	wrdreg $0x60  }
0xae: {  	[dreg:$0x2] =	wrdreg s24  }
0xaf: {  	[dreg:$0x3] =	wrdreg $0x41000  }
0xb0: {  	[dreg:$0x4] =	wrdreg $0x9  }
0xb1: {  	_ =	task.clear_ibuf [dreg:s6], $0x5FFFF;
	_ =	strace $0x90000049  }
0xb2: {  	s29 =	simm.s32 $0x9;
	_ =	strace $0x8000004B  }
0xb3: {  	_ =	swait.ge [sflag:s29], $0x1  }
0xb4: {  	[sflag:s29] =	ssyncadd.s32 $0xFFFFFFFF  }
0xb5: {  	_ =	strace $0x9000004B  }
0xb6: {  	_ =	sfence  }
0xb7: {  	s30 =	sld [smem:$0x0];
	_ =	sdelay $0x2  }
0xb8: {  	s31 =	sshll.u32 s1, $0xD;
	s1 =	sshrl.u32 s1, $0x2  }
0xb9: {  	s3 =	sand.u32 $0x4000, s31;
	s1 =	sadd.s32 s1, s30  }
0xba: {  	s0 =	sor.u32 s3, s0;
	s1 =	sshll.u32 s1, $0x11  }
0xbb: {  	s0 =	sor.u32 s1, s0  }
0xbc: {  	s0 =	sadd.s32 $0x8F2B, s0  }
0xbd: {  	[sflag:s0] =	ssyncadd.remote.s32 $0x1  }
0xbe: {  	_ =	sfence.sel $0xFFFF  }
0xbf: {  	[dreg:$0x0] =	wrdreg $0xFFFFFFFF;
	(pc) =	sbr.abs _section_cstart, $3  }
0xc0: {  	[dreg:$0x1] =	wrdreg $0xFFFFFFFF  }
0xc1: {  	_ =	task.clear_ibuf [dreg:s6], $0x2FFFF;
	_ =	strace $0x9FFFFFFF  }
0xc2: {  	(tm) =	ssettm $0x7FFFFFFF  }
0xc3: {  	_ =	shalt  }
tec
execute0_lowered:
.L_overlay_start_1:
0x0: {  	(tag) =	ssettag $0x1  }
0x1: {  	s6 =	rddreg [dreg:$0x0]  }
0x2: {  	s2 =	rddreg [dreg:$0x1]  }
0x3: {  	s0 =	rddreg [dreg:$0x2];
	s1 =	stileid.u32;
	s3 =	simm.s32 $0x0  }
0x4: {  	s4 =	srdreg.scid;
	s13 =	simm.s32 $0x2;
	s14 =	simm.s32 $0x80  }
0x5: {  	s15 =	simm.s32 $0x100;
	s16 =	simm.s32 $0x1;
	s5 =	smul.u32 $0x48, s1  }
0x6: {  	s17 =	simm.s32 $0x0;
	s7 =	sand.u32 $0x1, s4;
	s4 =	smul.u32 $0x58, s1  }
0x7: {  	[smem:$0x7FF] =	sst s3;
	s8 =	smul.u32 $0x13C00, s1;
	s31 =	sshll.u32 s1, $0x6  }
0x8: {  	p0 =	seq.s32 s7, $0x0;
	s9 =	smul.u32 $0x13C000, s7;
	s7 =	ssub.s32 $0x2, s7  }
0x9: {  	_ =	strace $0x8000004A;
	s5 =	sadd.s32 $0x580, s5;
	s10 =	sshrl.u32 s7, $0x1  }
0xa: {  	s12 =	sadd.s32 s8, s2;
	s5 =	smov.u32 @p0 s4;
	s4 =	sadd.s32 $0x18C00, s6  }
0xb: {  	s9 =	sadd.s32 s8, s9;
	s10 =	ssub.s32 s7, s10;
	s5 =	sshll.u32 s5, $0x4  }
0xc: {  	s7 =	sor.u32 $0x1C02, s31;
	s9 =	sshrl.u32 s9, $0x3;
	s11 =	sadd.s32 s5, s6  }
0xd: {  	s5 =	sadd.s32 $0x16400, s6;
	s9 =	sadd.s32 s9, s6;
	s6 =	simm.s32 $0x58  }
0xe: {  	s12 =	sshrl.u32 s12, $0x3;
	s6 =	simm.s32 @!p0 $0x48;
	s8 =	sadd.s32 $0x3FE00, s9  }
0xf: {  	s9 =	smax.u32 s10, $0x1;
	s10 =	sadd.s32 $0x2400, s11;
	s11 =	sadd.s32 $0xC400, s11  }
.LBB2_1:
0x10: {  	[spmem:s12], [sflag:s7] =	dma.local [hbm:s5], $0x2780  }
0x11: {  	_ =	swait.ge [sflag:s13], $0x2780  }
0x12: {  	[sflag:s13] =	ssyncset.done $0x0  }
0x13: {  	[sflag:s13] =	ssyncadd.s32 $0xFFFFD880  }
0x14: {  	[bflag:$0x0] =	sbarrier.arrive $0xFFFF  }
0x15: {  	[tilespmem:s3], [sflag:$0x2] =	stream.linear.gather [hbm4b:s11+s3], $0x80, $0x38;
	[tilespmem:$0x17D00] =	vst v63  }
0x16: {  	_ =	swait.ge [sflag:s13], $0x80  }
0x17: {  	[sflag:s13] =	ssyncset.done $0x0  }
0x18: {  	[sflag:s13] =	ssyncadd.s32 $0xFFFFFF80  }
0x19: {  	[tilespmem:s14], [sflag:$0x2] =	stream.linear.gather [hbm4b:s10+s3], $0x80, $0x38;
	[tilespmem:$0x17D00] =	vst v63  }
0x1a: {  	_ =	swait.ge [sflag:s13], $0x80  }
0x1b: {  	[sflag:s13] =	ssyncset.done $0x0  }
0x1c: {  	[sflag:s13] =	ssyncadd.s32 $0xFFFFFF80  }
0x1d: {  	[tilespmem:s15], [sflag:$0x1] =	stream.indirect.gather [hbm4b:s4+s14], $0x80, s3, s14, $0xb8;
	[tilespmem:$0x17D00] =	vst v63  }
0x1e: {  	p0 =	sne.s32 s6, $0x1;
	_ =	swait.ge [sflag:s16], $0x4000  }
.Ltmp0:
0x1f: {  	[sflag:s16] =	ssyncset.done $0x0;
	(pc) =	sbr.rel @!p0 .LBB2_3-.Ltmp0, $4  }
0x20: {  	[sflag:s16] =	ssyncadd.s32 $0xFFFFC000  }
0x21: {  	[spmem:s2] =	stream.indirect.scatter.add.f32 [tilespmem:s15], [sflag:$0x2], $0x80, s14, s14, $0xb8;
	[tilespmem:$0x17D00] =	vst v63  }
0x22: {  	s18 =	sadd.s32 $0xFFFFFFFF, s6;
	_ =	swait.ge [sflag:s13], $0x4000  }
0x23: {  	s19 =	smov.u32 s10;
	s20 =	smov.u32 s11;
	[sflag:s13] =	ssyncset.done $0x0  }
.LBB2_2:
0x24: {  	[sflag:s13] =	ssyncadd.s32 $0xFFFFC000;
	s19 =	sadd.s32 $0x10, s19;
	s20 =	sadd.s32 $0x10, s20  }
0x25: {  	[tilespmem:s3], [sflag:$0x2] =	stream.linear.gather [hbm4b:s20+s3], $0x80, $0x38;
	[tilespmem:$0x17D00] =	vst v63  }
0x26: {  	p0 =	sne.s32 s18, $0x1;
	s18 =	sadd.s32 $0xFFFFFFFF, s18;
	_ =	swait.ge [sflag:s13], $0x80  }
0x27: {  	[sflag:s13] =	ssyncset.done $0x0  }
0x28: {  	[sflag:s13] =	ssyncadd.s32 $0xFFFFFF80  }
0x29: {  	[tilespmem:s14], [sflag:$0x2] =	stream.linear.gather [hbm4b:s19+s3], $0x80, $0x38;
	[tilespmem:$0x17D00] =	vst v63  }
0x2a: {  	_ =	swait.ge [sflag:s13], $0x80  }
0x2b: {  	[sflag:s13] =	ssyncset.done $0x0  }
0x2c: {  	[sflag:s13] =	ssyncadd.s32 $0xFFFFFF80  }
0x2d: {  	[tilespmem:s15], [sflag:$0x1] =	stream.indirect.gather [hbm4b:s4+s14], $0x80, s3, s14, $0xb8;
	[tilespmem:$0x17D00] =	vst v63  }
0x2e: {  	_ =	swait.ge [sflag:s16], $0x4000  }
.Ltmp1:
0x2f: {  	[sflag:s16] =	ssyncset.done $0x0;
	(pc) =	sbr.rel @p0 .LBB2_2-.Ltmp1, $4  }
0x30: {  	[sflag:s16] =	ssyncadd.s32 $0xFFFFC000  }
0x31: {  	[spmem:s2] =	stream.indirect.scatter.add.f32 [tilespmem:s15], [sflag:$0x2], $0x80, s14, s14, $0xb8;
	[tilespmem:$0x17D00] =	vst v63  }
0x32: {  	_ =	swait.ge [sflag:s13], $0x4000  }
0x33: {  	[sflag:s13] =	ssyncset.done $0x0  }
.LBB2_3:
0x34: {  	s17 =	sadd.s32 $0x1, s17  }
0x35: {  	[sflag:s13] =	ssyncadd.s32 $0xFFFFC000;
	p0 =	sne.s32 s17, s9  }
.Ltmp2:
0x36: {  	[bflag:$0x0] =	sbarrier.arrive $0xFFFF;
	(pc) =	sbr.rel @p0 .LBB2_1-.Ltmp2, $4  }
0x37: {  	[hbm:s8], [sflag:s7] =	dma.local [spmem:s12], $0x2780  }
0x38: {  	_ =	swait.ge [sflag:s13], $0x2780  }
0x39: {  	[sflag:s13] =	ssyncset.done $0x0  }
0x3a: {  	[sflag:s13] =	ssyncadd.s32 $0xFFFFD880  }
0x3b: {  	_ =	sfence.sel $0x180000  }
0x3c: {  	[bflag:$0x0] =	sbarrier.arrive $0xFFFF  }
0x3d: {  	p0 =	sne.s32 s1, $0x0;
	_ =	strace $0x9000004A  }
0x3e: {  	s0 =	sadd.s32 @!p0 $0x100000, s0;
	[bflag:$0x2] =	sbarrier.arrive $0xFFFF  }
0x3f: {  	[sflag:s0] =	ssyncadd.tile.s32 @!p0 $0x1;
	_ =	shalt  }
.Lfunc_end2:
_tile_overlayer_lowered:
.L_overlay_start_2:
0x40: {  	(tag) =	ssettag $0x2  }
0x41: {  	s0 =	rddreg [dreg:$0x0];
	s2 =	stileid.u32  }
0x42: {  	s1 =	rddreg [dreg:$0x1];
	p0 =	sne.s32 s2, $0x0  }
0x43: {  	s3 =	rddreg [dreg:$0x2];
	[bflag:$0x3] =	sbarrier.arrive $0xFFFF;
	s2 =	simm.s32 @!p0 $0x1C02  }
0x44: {  	[timem:s3], [sflag:s2] =	dma.local @!p0 [hbm:s0], s1  }
0x45: {  	s0 =	simm.s32 @!p0 $0x2  }
0x46: {  	_ =	swait.ge @!p0 [sflag:s0], s1  }
0x47: {  	s1 =	ssub.s32 @!p0 $0x0, s1;
	[sflag:s0] =	ssyncset.done @!p0 $0x0  }
0x48: {  	[sflag:s0] =	ssyncadd.s32 @!p0 s1  }
0x49: {  	[bflag:$0x3] =	sbarrier.arrive $0xFFFF  }
0x4a: {  	_ =	shalt  }

// kernel: kernel.14.cloned.1.call-start
scs
__scs_entry_jumppad:
0x0: {  	(pc) =	sbr.rel $0x88, $3  }
0x1: {  	(tag) =	ssettag $0x0;
	lr =	simm.s32 $0x1  }
0x2: {  	[smem:$0x3F96] =	sst lr;
	_ =	strace $0xD0000000  }
0x3: {  	_ = 	snop  }
0x4: {  	_ = 	snop  }
0x5: {  	_ = 	snop  }
0x6: {  	_ = 	snop  }
0x7: {  	_ = 	snop  }
__scs_overlays_trampoline_lowered:
0x8: {  	[smem:$0x3FA5] =	sst s0  }
0x9: {  	[smem:$0x3FA6] =	sst s1  }
0xa: {  	[smem:$0x3FA7] =	sst s2  }
0xb: {  	[smem:$0x3FA8] =	sst s3  }
0xc: {  	[smem:$0x3FA9] =	sst s4  }
0xd: {  	[smem:$0x3FAA] =	sst s5  }
0xe: {  	[smem:$0x3FAB] =	sst s6  }
0xf: {  	[smem:$0x3FAC] =	sst s7  }
0x10: {  	[smem:$0x3FAD] =	sst s8  }
0x11: {  	[smem:$0x3FAE] =	sst s9;
	s0 =	simm.s32 @!p0 $0x0  }
0x12: {  	s1 =	sld [smem:$0x3F94];
	s0 =	simm.s32 @p0 $0x1  }
0x13: {  	[smem:$0x3FAF] =	sst s0;
	s0 =	simm.s32 @!p1 $0x0  }
0x14: {  	s2 =	sld [smem:$0x3F93];
	s0 =	simm.s32 @p1 $0x1  }
0x15: {  	[smem:$0x3FB0] =	sst s0;
	s0 =	simm.s32 @!p2 $0x0  }
0x16: {  	s3 =	sld [smem:$0x3FDB];
	s0 =	simm.s32 @p2 $0x1  }
0x17: {  	s4 =	simm.s32 $0x1BF5;
	[smem:$0x3FB2] =	sst s0  }
0x18: {  	s0 =	sld [smem:$0x3F95];
	_ =	swait.ge [sflag:s4], $0x0  }
0x19: {  	s7 =	sld [smem:$0x3F96]  }
0x1a: {  	s8 =	sadd.s32 $0xFFFFE003, lr  }
0x1b: {  	s9 =	sadd.s32 $0xFFFFFEF7, lr;
	s5 =	simm.s32 $0xFFFFFFFF;
	p2 =	slt.u32 s8, $0xFFFFF086  }
0x1c: {  	p1 =	slt.u32 s9, $0xF7A;
	s5 =	simm.s32 @!p2 $0x0  }
0x1d: {  	s5 =	simm.s32 @p1 $0x1;
	p0 =	seq.s32 s7, s2  }
0x1e: {  	s7 =	smul.u32 @!p0 $0xF7A, s2;
	p2 =	seq.s32 @!p0 s5, $0x0  }
0x1f: {  	s9 =	smul.u32 $0xF7A, s1;
	s8 =	simm.s32 @!p0 $0x1BF5;
	p2 =	por !p2, p0  }
0x20: {  	[sflag:s8] =	ssyncset.s32 @!p0 $0xFFFFF086;
	s6 =	sadd.s32 @!p0 s3, s7;
	s7 =	simm.s32 @!p0 $0x108  }
0x21: {  	s3 =	sadd.s32 s3, s9;
	s6 =	sadd.s32 @!p0 $0x88, s6;
	s7 =	simm.s32 @p2 $0x1082  }
0x22: {  	[simem:s7], [sflag:s8] =	dma.local @!p0 [hbm:s6], $0xF7A  }
0x23: {  	s9 =	sor.u32 $0xD0000000, s2;
	s6 =	simm.s32 $0x108;
	_ =	swait.ge @!p0 [sflag:s8], $0x0  }
0x24: {  	s3 =	sadd.s32 $0x88, s3;
	s6 =	simm.s32 @!p1 $0x1082;
	[sflag:s4] =	ssyncset.s32 $0xFFFFF086  }
0x25: {  	[simem:s6], [sflag:s4] =	dma.local [hbm:s3], $0xF7A  }
0x26: {  	[smem:$0x3F96] =	sst s1;
	(tag) =	ssettag s2;
	_ =	strace s9  }
0x27: {  	s1 =	sld [smem:$0x3FA6]  }
0x28: {  	s2 =	sld [smem:$0x3FA7]  }
0x29: {  	s4 =	sld [smem:$0x3FA9]  }
0x2a: {  	p0 =	seq.s32 s5, $0x0;
	s5 =	sld [smem:$0x3FAA]  }
0x2b: {  	s6 =	sld [smem:$0x3FAB]  }
0x2c: {  	s7 =	sld [smem:$0x3FAC]  }
0x2d: {  	s3 =	simm.s32 $0x108;
	s8 =	sld [smem:$0x3FAD]  }
0x2e: {  	s3 =	simm.s32 @!p0 $0x1082;
	s9 =	sld [smem:$0x3FAE]  }
0x2f: {  	lr =	sadd.s32 s0, s3;
	s0 =	sld [smem:$0x3FA5]  }
0x30: {  	s3 =	sld [smem:$0x3FA8]  }
0x31: {  	[smem:$0x3FB1] =	sst s10  }
0x32: {  	s10 =	sld [smem:$0x3FAF];
	_ =	sdelay $0x3  }
0x33: {  	p0 =	seq.s32 s10, $0x1;
	s10 =	sld [smem:$0x3FB1];
	_ =	sdelay $0x3  }
0x34: {  	[smem:$0x3FB1] =	sst s10  }
0x35: {  	s10 =	sld [smem:$0x3FB0];
	_ =	sdelay $0x3  }
0x36: {  	p1 =	seq.s32 s10, $0x1;
	s10 =	sld [smem:$0x3FB1];
	_ =	sdelay $0x3  }
0x37: {  	[smem:$0x3FB1] =	sst s10  }
0x38: {  	s10 =	sld [smem:$0x3FB2]  }
0x39: {  	_ = 	snop;
	(pc) =	sbr.ind lr, $3  }
0x3a: {  	_ = 	snop  }
0x3b: {  	_ = 	snop  }
0x3c: {  	p2 =	seq.s32 s10, $0x1;
	s10 =	sld [smem:$0x3FB1]  }
0x3d: {  	_ =	shalt  }
0x3e: {  	_ =	shalt  }
0x3f: {  	_ =	shalt  }
0x40: {  	_ =	shalt  }
0x41: {  	_ =	shalt  }
0x42: {  	_ =	shalt  }
0x43: {  	_ =	shalt  }
0x44: {  	_ =	shalt  }
0x45: {  	_ =	shalt  }
0x46: {  	_ =	shalt  }
0x47: {  	_ =	shalt  }
0x48: {  	_ =	shalt  }
0x49: {  	_ =	shalt  }
0x4a: {  	_ =	shalt  }
0x4b: {  	_ =	shalt  }
0x4c: {  	_ =	shalt  }
0x4d: {  	_ =	shalt  }
0x4e: {  	_ =	shalt  }
0x4f: {  	_ =	shalt  }
0x50: {  	_ =	shalt  }
0x51: {  	_ =	shalt  }
0x52: {  	_ =	shalt  }
0x53: {  	_ =	shalt  }
0x54: {  	_ =	shalt  }
0x55: {  	_ =	shalt  }
0x56: {  	_ =	shalt  }
0x57: {  	_ =	shalt  }
0x58: {  	_ =	shalt  }
0x59: {  	_ =	shalt  }
0x5a: {  	_ =	shalt  }
0x5b: {  	_ =	shalt  }
0x5c: {  	_ =	shalt  }
0x5d: {  	_ =	shalt  }
0x5e: {  	_ =	shalt  }
0x5f: {  	_ =	shalt  }
0x60: {  	_ =	shalt  }
0x61: {  	_ =	shalt  }
0x62: {  	_ =	shalt  }
0x63: {  	_ =	shalt  }
0x64: {  	_ =	shalt  }
0x65: {  	_ =	shalt  }
0x66: {  	_ =	shalt  }
0x67: {  	_ =	shalt  }
0x68: {  	_ =	shalt  }
0x69: {  	_ =	shalt  }
0x6a: {  	_ =	shalt  }
0x6b: {  	_ =	shalt  }
0x6c: {  	_ =	shalt  }
0x6d: {  	_ =	shalt  }
0x6e: {  	_ =	shalt  }
0x6f: {  	_ =	shalt  }
0x70: {  	_ =	shalt  }
0x71: {  	_ =	shalt  }
0x72: {  	_ =	shalt  }
0x73: {  	_ =	shalt  }
0x74: {  	_ =	shalt  }
0x75: {  	_ =	shalt  }
0x76: {  	_ =	shalt  }
0x77: {  	_ =	shalt  }
0x78: {  	_ =	shalt  }
0x79: {  	_ =	shalt  }
0x7a: {  	_ =	shalt  }
0x7b: {  	_ =	shalt  }
0x7c: {  	_ =	shalt  }
0x7d: {  	_ =	shalt  }
0x7e: {  	_ =	shalt  }
0x7f: {  	_ =	shalt  }
0x80: {  	_ =	shalt  }
0x81: {  	_ =	shalt  }
0x82: {  	_ =	shalt  }
0x83: {  	_ =	shalt  }
0x84: {  	_ =	shalt  }
0x85: {  	_ =	shalt  }
0x86: {  	_ =	shalt  }
0x87: {  	_ =	shalt  }
.Lfunc_end0:
.L_simem_size_0:
called_computation.2_lowered:
.L_overlay_start_0:
0x88: {  	s2 =	sld [smem:$0x3FD9]  }
0x89: {  	s3 =	sld [smem:$0x3FFE];
	_ =	sdelay $0x1  }
0x8a: {  	s1 =	srdreg.scid  }
0x8b: {  	s0 =	sand.u32 $0x1, s1  }
0x8c: {  	s17 =	sshll.u32 s0, $0xA;
	s2 =	sadd.s32 s3, s2  }
0x8d: {  	s2 =	sadd.s32 s2, s17  }
0x8e: {  	[smem:$0x3FBD] =	sst s2  }
0x8f: {  	_ = 	snop  }
0x90: {  	s2 =	sld [smem:$0x3FD0];
	(tm) =	ssettm $0x1  }
0x91: {  	s18 =	sld [smem:$0x3FFB];
	_ =	sdelay $0x3  }
0x92: {  	_ =	strace s18  }
0x93: {  	s3 =	sld [smem:$0x3FFC];
	_ =	sdelay $0x3  }
0x94: {  	_ =	strace s3  }
0x95: {  	s3 =	sld [smem:$0x3FFD];
	_ =	sdelay $0x3  }
0x96: {  	_ =	strace s3  }
0x97: {  	_ =	strace $0x8FFFFFFF  }
0x98: {  	s19 =	sld [smem:$0x3FDB];
	_ =	sdelay $0x1  }
0x99: {  	s4 =	simm.s32 $_scs_section_size  }
0x9a: {  	s5 =	simm.s32 $_size__tile_overlayer_lowered;
	s6 =	simm.s32 $_tile_overlayer_lowered  }
0x9b: {  	s22 =	simm.s32 $0x1BFF;
	s21 =	sshll.u32 s6, $0x1;
	s3 =	sadd.s32 s4, s19  }
0x9c: {  	s7 =	simm.s32 $0x0;
	s20 =	sshll.u32 s5, $0x1;
	s5 =	sadd.s32 s21, s3  }
0x9d: {  	[timem:s7], [sflag:s22] =	dma.local [hbm:s5], s20  }
0x9e: {  	_ =	swait.ge [sflag:s22], s20  }
0x9f: {  	s4 =	ssub.s32 $0x0, s20;
	[sflag:s22] =	ssyncset.done $0x0  }
0xa0: {  	[sflag:s22] =	ssyncadd.s32 s4;
	_ =	sdelay $0x1  }
0xa1: {  	s23 =	simm.s32 $0x1B8B  }
0xa2: {  	_ =	swait.ge [sflag:s23], $0x1  }
0xa3: {  	[sflag:s23] =	ssyncset.done $0x0  }
0xa4: {  	s25 =	simm.s32 $0x1B8E;
	s24 =	sld [smem:$0x3FFE];
	[sflag:s23] =	ssyncadd.s32 $0xFFFFFFFF  }
0xa5: {  	s26 =	simm.s32 $execute0_lowered;
	[smem:$0x3FD2] =	sst s25  }
0xa6: {  	s5 =	sshll.u32 s26, $0x1;
	_ =	strace $0x8000004C;
	[dreg:$0x1] =	wrdreg $0xFFFFFFFF  }
0xa7: {  	s28 =	simm.s32 $_size_execute0_lowered;
	s3 =	sadd.s32 s3, s5;
	[dreg:$0x0] =	wrdreg $0x0  }
0xa8: {  	s5 =	sshll.u32 s28, $0x1;
	[dreg:$0x2] =	wrdreg s3  }
0xa9: {  	[dreg:$0x3] =	wrdreg s5  }
0xaa: {  	[dreg:$0x4] =	wrdreg $0xC0  }
0xab: {  	_ =	task [dreg:s7], $0x5FFFF  }
0xac: {  	[dreg:$0x1] =	wrdreg $0xFFFFFFFF  }
0xad: {  	[dreg:$0x0] =	wrdreg $0x60  }
0xae: {  	[dreg:$0x2] =	wrdreg s24  }
0xaf: {  	[dreg:$0x3] =	wrdreg s2  }
0xb0: {  	[dreg:$0x4] =	wrdreg $0x9000  }
0xb1: {  	[dreg:$0x5] =	wrdreg $0x9  }
0xb2: {  	_ =	task.clear_ibuf [dreg:s7], $0x6FFFF;
	_ =	strace $0x9000004C  }
0xb3: {  	s29 =	simm.s32 $0x9;
	_ =	strace $0x8000004E  }
0xb4: {  	_ =	swait.ge [sflag:s29], $0x1  }
0xb5: {  	[sflag:s29] =	ssyncadd.s32 $0xFFFFFFFF  }
0xb6: {  	_ =	strace $0x9000004E  }
0xb7: {  	_ =	sfence  }
0xb8: {  	s30 =	sld [smem:$0x0];
	_ =	sdelay $0x2  }
0xb9: {  	s31 =	sshll.u32 s1, $0xD;
	s1 =	sshrl.u32 s1, $0x2  }
0xba: {  	s3 =	sand.u32 $0x4000, s31;
	s1 =	sadd.s32 s1, s30  }
0xbb: {  	s0 =	sor.u32 s3, s0;
	s1 =	sshll.u32 s1, $0x11  }
0xbc: {  	s0 =	sor.u32 s1, s0  }
0xbd: {  	s0 =	sadd.s32 $0x8F2B, s0  }
0xbe: {  	[sflag:s0] =	ssyncadd.remote.s32 $0x1  }
0xbf: {  	_ =	sfence.sel $0xFFFF  }
0xc0: {  	[dreg:$0x0] =	wrdreg $0xFFFFFFFF;
	(pc) =	sbr.abs _section_cstart, $3  }
0xc1: {  	[dreg:$0x1] =	wrdreg $0xFFFFFFFF  }
0xc2: {  	_ =	task.clear_ibuf [dreg:s7], $0x2FFFF;
	_ =	strace $0x9FFFFFFF  }
0xc3: {  	(tm) =	ssettm $0x7FFFFFFF  }
tec
execute0_lowered:
.L_overlay_start_1:
0x0: {  	(tag) =	ssettag $0x1  }
0x1: {  	s6 =	rddreg [dreg:$0x0]  }
0x2: {  	s2 =	rddreg [dreg:$0x1]  }
0x3: {  	s3 =	rddreg [dreg:$0x2]  }
0x4: {  	s0 =	rddreg [dreg:$0x3];
	s1 =	stileid.u32  }
0x5: {  	s4 =	simm.s32 $0x0;
	s5 =	srdreg.scid;
	s13 =	simm.s32 $0x80  }
0x6: {  	s14 =	simm.s32 $0x100;
	s15 =	simm.s32 $0x1;
	s16 =	simm.s32 $0x0  }
0x7: {  	s7 =	smul.u32 $0x50, s1;
	[smem:$0x7FF] =	sst s4;
	s8 =	sand.u32 $0x1, s5  }
0x8: {  	s9 =	smul.u32 $0x2780, s1;
	s5 =	sadd.s32 $0x16400, s6;
	s31 =	sshll.u32 s1, $0x6  }
0x9: {  	p0 =	seq.s32 s8, $0x0;
	s11 =	smul.u32 $0x27800, s8;
	s8 =	ssub.s32 $0x2, s8  }
0xa: {  	_ =	strace $0x8000004D;
	s10 =	sadd.s32 $0x500, s7;
	s30 =	sshrl.u32 s8, $0x1  }
0xb: {  	s12 =	sadd.s32 s9, s3;
	s10 =	smov.u32 @p0 s7;
	s26 =	sadd.s32 s9, s11  }
0xc: {  	s8 =	ssub.s32 s8, s30;
	s11 =	sshrl.u32 s12, $0x3;
	s12 =	simm.s32 $0x2  }
0xd: {  	s7 =	sshll.u32 s10, $0x4;
	s29 =	sshrl.u32 s26, $0x3;
	s8 =	smax.u32 s8, $0x1  }
0xe: {  	s28 =	sadd.s32 s7, s6;
	s7 =	sadd.s32 s29, s6;
	s6 =	sor.u32 $0x1C02, s31  }
0xf: {  	s7 =	sadd.s32 $0x1B400, s7;
	s9 =	sadd.s32 $0x2400, s28;
	s10 =	sadd.s32 $0xC400, s28  }
.LBB2_1:
0x10: {  	[spmem:s11], [sflag:s6] =	dma.local [hbm:s2], $0x4F0  }
0x11: {  	_ =	swait.ge [sflag:s12], $0x4F0  }
0x12: {  	[sflag:s12] =	ssyncset.done $0x0  }
0x13: {  	[sflag:s12] =	ssyncadd.s32 $0xFFFFFB10  }
0x14: {  	s17 =	sadd.s32 $0x0, s10;
	[bflag:$0x0] =	sbarrier.arrive $0xFFFF  }
0x15: {  	[tilespmem:s4], [sflag:$0x2] =	stream.linear.gather [hbm4b:s17+s4], $0x80, $0x38;
	[tilespmem:$0x3080] =	vst v63  }
0x16: {  	_ =	swait.ge [sflag:s12], $0x80  }
0x17: {  	[sflag:s12] =	ssyncset.done $0x0  }
0x18: {  	s31 =	sadd.s32 $0x0, s9;
	[sflag:s12] =	ssyncadd.s32 $0xFFFFFF80  }
0x19: {  	[tilespmem:s13], [sflag:$0x2] =	stream.linear.gather [hbm4b:s31+s4], $0x80, $0x38;
	[tilespmem:$0x3080] =	vst v63  }
0x1a: {  	_ =	swait.ge [sflag:s12], $0x80  }
0x1b: {  	[sflag:s12] =	ssyncset.done $0x0  }
0x1c: {  	[sflag:s12] =	ssyncadd.s32 $0xFFFFFF80  }
0x1d: {  	[tilespmem:s14], [sflag:$0x1] =	stream.indirect.gather [hbm4b:s5+s13], $0x10, s4, s13, $0xb8;
	[tilespmem:$0x3080] =	vst v63  }
0x1e: {  	_ =	swait.ge [sflag:s15], $0x800  }
0x1f: {  	[sflag:s15] =	ssyncset.done $0x0  }
0x20: {  	[sflag:s15] =	ssyncadd.s32 $0xFFFFF800  }
0x21: {  	[spmem:s3] =	stream.indirect.scatter.add.f32 [tilespmem:s14], [sflag:$0x2], $0x10, s13, s13, $0xb8;
	[tilespmem:$0x3080] =	vst v63  }
0x22: {  	_ =	swait.ge [sflag:s12], $0x800  }
0x23: {  	s18 =	simm.s32 $0x20;
	s17 =	simm.s32 $0x10;
	[sflag:s12] =	ssyncset.done $0x0  }
.LBB2_2:
0x24: {  	s19 =	sadd.s32 s17, s10  }
0x25: {  	[sflag:s12] =	ssyncadd.s32 $0xFFFFF800;
	s20 =	smov.u32 s18;
	s21 =	sadd.s32 $0x10, s18  }
0x26: {  	[tilespmem:s4], [sflag:$0x2] =	stream.linear.gather [hbm4b:s19+s4], $0x80, $0x38;
	[tilespmem:$0x3080] =	vst v63  }
0x27: {  	p0 =	sne.s32 s18, $0x4F0;
	_ =	swait.ge [sflag:s12], $0x80  }
0x28: {  	[sflag:s12] =	ssyncset.done $0x0  }
0x29: {  	s18 =	sadd.s32 s17, s9;
	s17 =	smov.u32 s20;
	[sflag:s12] =	ssyncadd.s32 $0xFFFFFF80  }
0x2a: {  	[tilespmem:s13], [sflag:$0x2] =	stream.linear.gather [hbm4b:s18+s4], $0x80, $0x38;
	[tilespmem:$0x3080] =	vst v63  }
0x2b: {  	_ =	swait.ge [sflag:s12], $0x80  }
0x2c: {  	[sflag:s12] =	ssyncset.done $0x0  }
0x2d: {  	[sflag:s12] =	ssyncadd.s32 $0xFFFFFF80  }
0x2e: {  	[tilespmem:s14], [sflag:$0x1] =	stream.indirect.gather [hbm4b:s5+s13], $0x10, s4, s13, $0xb8;
	[tilespmem:$0x3080] =	vst v63  }
0x2f: {  	_ =	swait.ge [sflag:s15], $0x800  }
.Ltmp0:
0x30: {  	[sflag:s15] =	ssyncset.done $0x0;
	(pc) =	sbr.rel @p0 .LBB2_2-.Ltmp0, $4  }
0x31: {  	[sflag:s15] =	ssyncadd.s32 $0xFFFFF800  }
0x32: {  	[spmem:s3] =	stream.indirect.scatter.add.f32 [tilespmem:s14], [sflag:$0x2], $0x10, s13, s13, $0xb8;
	[tilespmem:$0x3080] =	vst v63  }
0x33: {  	_ =	swait.ge [sflag:s12], $0x800  }
0x34: {  	s18 =	smov.u32 s21;
	[sflag:s12] =	ssyncset.done $0x0  }
0x35: {  	s18 =	sadd.s32 s17, s10;
	[sflag:s12] =	ssyncadd.s32 $0xFFFFF800  }
0x36: {  	[tilespmem:s4], [sflag:$0x2] =	stream.linear.gather [hbm4b:s18+s4], $0x80, $0x38;
	[tilespmem:$0x3080] =	vst v63  }
0x37: {  	_ =	swait.ge [sflag:s12], $0x80  }
0x38: {  	[sflag:s12] =	ssyncset.done $0x0  }
0x39: {  	s31 =	sadd.s32 s17, s9;
	[sflag:s12] =	ssyncadd.s32 $0xFFFFFF80  }
0x3a: {  	[tilespmem:s13], [sflag:$0x2] =	stream.linear.gather [hbm4b:s31+s4], $0x80, $0x38;
	[tilespmem:$0x3080] =	vst v63  }
0x3b: {  	_ =	swait.ge [sflag:s12], $0x80  }
0x3c: {  	[sflag:s12] =	ssyncset.done $0x0  }
0x3d: {  	[sflag:s12] =	ssyncadd.s32 $0xFFFFFF80  }
0x3e: {  	[tilespmem:s14], [sflag:$0x1] =	stream.indirect.gather [hbm4b:s5+s13], $0x10, s4, s13, $0xb8;
	[tilespmem:$0x3080] =	vst v63  }
0x3f: {  	_ =	swait.ge [sflag:s15], $0x800  }
0x40: {  	[sflag:s15] =	ssyncset.done $0x0  }
0x41: {  	[sflag:s15] =	ssyncadd.s32 $0xFFFFF800  }
0x42: {  	[spmem:s3] =	stream.indirect.scatter.add.f32 [tilespmem:s14], [sflag:$0x2], $0x10, s13, s13, $0xb8;
	[tilespmem:$0x3080] =	vst v63  }
0x43: {  	_ =	swait.ge [sflag:s12], $0x800  }
0x44: {  	s16 =	sadd.s32 $0x1, s16;
	[sflag:s12] =	ssyncset.done $0x0  }
0x45: {  	p0 =	sne.s32 s16, s8;
	[sflag:s12] =	ssyncadd.s32 $0xFFFFF800  }
.Ltmp1:
0x46: {  	[bflag:$0x0] =	sbarrier.arrive $0xFFFF;
	(pc) =	sbr.rel @p0 .LBB2_1-.Ltmp1, $4  }
0x47: {  	[hbm:s7], [sflag:s6] =	dma.local [spmem:s11], $0x4F0  }
0x48: {  	_ =	swait.ge [sflag:s12], $0x4F0  }
0x49: {  	[sflag:s12] =	ssyncset.done $0x0  }
0x4a: {  	[sflag:s12] =	ssyncadd.s32 $0xFFFFFB10  }
0x4b: {  	_ =	sfence.sel $0x180000  }
0x4c: {  	[bflag:$0x0] =	sbarrier.arrive $0xFFFF  }
0x4d: {  	p0 =	sne.s32 s1, $0x0;
	_ =	strace $0x9000004D  }
0x4e: {  	s0 =	sadd.s32 @!p0 $0x100000, s0;
	[bflag:$0x2] =	sbarrier.arrive $0xFFFF  }
0x4f: {  	[sflag:s0] =	ssyncadd.tile.s32 @!p0 $0x1;
	_ =	shalt  }
.Lfunc_end2:
_tile_overlayer_lowered:
.L_overlay_start_2:
0x50: {  	(tag) =	ssettag $0x2  }
0x51: {  	s0 =	rddreg [dreg:$0x0];
	s2 =	stileid.u32  }
0x52: {  	s1 =	rddreg [dreg:$0x1];
	p0 =	sne.s32 s2, $0x0  }
0x53: {  	s3 =	rddreg [dreg:$0x2];
	[bflag:$0x3] =	sbarrier.arrive $0xFFFF;
	s2 =	simm.s32 @!p0 $0x1C02  }
0x54: {  	[timem:s3], [sflag:s2] =	dma.local @!p0 [hbm:s0], s1  }
0x55: {  	s0 =	simm.s32 @!p0 $0x2  }
0x56: {  	_ =	swait.ge @!p0 [sflag:s0], s1  }
0x57: {  	s1 =	ssub.s32 @!p0 $0x0, s1;
	[sflag:s0] =	ssyncset.done @!p0 $0x0  }
0x58: {  	[sflag:s0] =	ssyncadd.s32 @!p0 s1  }
0x59: {  	[bflag:$0x3] =	sbarrier.arrive $0xFFFF  }
0x5a: {  	_ =	shalt  }

// kernel: kernel.8.cloned.1.call-start
scs
__scs_entry_jumppad:
0x0: {  	(pc) =	sbr.rel $0x88, $3  }
0x1: {  	(tag) =	ssettag $0x0;
	lr =	simm.s32 $0x1  }
0x2: {  	[smem:$0x3F96] =	sst lr;
	_ =	strace $0xD0000000  }
0x3: {  	_ = 	snop  }
0x4: {  	_ = 	snop  }
0x5: {  	_ = 	snop  }
0x6: {  	_ = 	snop  }
0x7: {  	_ = 	snop  }
__scs_overlays_trampoline_lowered:
0x8: {  	[smem:$0x3FA5] =	sst s0  }
0x9: {  	[smem:$0x3FA6] =	sst s1  }
0xa: {  	[smem:$0x3FA7] =	sst s2  }
0xb: {  	[smem:$0x3FA8] =	sst s3  }
0xc: {  	[smem:$0x3FA9] =	sst s4  }
0xd: {  	[smem:$0x3FAA] =	sst s5  }
0xe: {  	[smem:$0x3FAB] =	sst s6  }
0xf: {  	[smem:$0x3FAC] =	sst s7  }
0x10: {  	[smem:$0x3FAD] =	sst s8  }
0x11: {  	[smem:$0x3FAE] =	sst s9;
	s0 =	simm.s32 @!p0 $0x0  }
0x12: {  	s1 =	sld [smem:$0x3F94];
	s0 =	simm.s32 @p0 $0x1  }
0x13: {  	[smem:$0x3FAF] =	sst s0;
	s0 =	simm.s32 @!p1 $0x0  }
0x14: {  	s2 =	sld [smem:$0x3F93];
	s0 =	simm.s32 @p1 $0x1  }
0x15: {  	[smem:$0x3FB0] =	sst s0;
	s0 =	simm.s32 @!p2 $0x0  }
0x16: {  	s3 =	sld [smem:$0x3FDB];
	s0 =	simm.s32 @p2 $0x1  }
0x17: {  	s4 =	simm.s32 $0x1BF5;
	[smem:$0x3FB2] =	sst s0  }
0x18: {  	s0 =	sld [smem:$0x3F95];
	_ =	swait.ge [sflag:s4], $0x0  }
0x19: {  	s7 =	sld [smem:$0x3F96]  }
0x1a: {  	s8 =	sadd.s32 $0xFFFFE003, lr  }
0x1b: {  	s9 =	sadd.s32 $0xFFFFFEF7, lr;
	s5 =	simm.s32 $0xFFFFFFFF;
	p2 =	slt.u32 s8, $0xFFFFF086  }
0x1c: {  	p1 =	slt.u32 s9, $0xF7A;
	s5 =	simm.s32 @!p2 $0x0  }
0x1d: {  	s5 =	simm.s32 @p1 $0x1;
	p0 =	seq.s32 s7, s2  }
0x1e: {  	s7 =	smul.u32 @!p0 $0xF7A, s2;
	p2 =	seq.s32 @!p0 s5, $0x0  }
0x1f: {  	s9 =	smul.u32 $0xF7A, s1;
	s8 =	simm.s32 @!p0 $0x1BF5;
	p2 =	por !p2, p0  }
0x20: {  	[sflag:s8] =	ssyncset.s32 @!p0 $0xFFFFF086;
	s6 =	sadd.s32 @!p0 s3, s7;
	s7 =	simm.s32 @!p0 $0x108  }
0x21: {  	s3 =	sadd.s32 s3, s9;
	s6 =	sadd.s32 @!p0 $0x88, s6;
	s7 =	simm.s32 @p2 $0x1082  }
0x22: {  	[simem:s7], [sflag:s8] =	dma.local @!p0 [hbm:s6], $0xF7A  }
0x23: {  	s9 =	sor.u32 $0xD0000000, s2;
	s6 =	simm.s32 $0x108;
	_ =	swait.ge @!p0 [sflag:s8], $0x0  }
0x24: {  	s3 =	sadd.s32 $0x88, s3;
	s6 =	simm.s32 @!p1 $0x1082;
	[sflag:s4] =	ssyncset.s32 $0xFFFFF086  }
0x25: {  	[simem:s6], [sflag:s4] =	dma.local [hbm:s3], $0xF7A  }
0x26: {  	[smem:$0x3F96] =	sst s1;
	(tag) =	ssettag s2;
	_ =	strace s9  }
0x27: {  	s1 =	sld [smem:$0x3FA6]  }
0x28: {  	s2 =	sld [smem:$0x3FA7]  }
0x29: {  	s4 =	sld [smem:$0x3FA9]  }
0x2a: {  	p0 =	seq.s32 s5, $0x0;
	s5 =	sld [smem:$0x3FAA]  }
0x2b: {  	s6 =	sld [smem:$0x3FAB]  }
0x2c: {  	s7 =	sld [smem:$0x3FAC]  }
0x2d: {  	s3 =	simm.s32 $0x108;
	s8 =	sld [smem:$0x3FAD]  }
0x2e: {  	s3 =	simm.s32 @!p0 $0x1082;
	s9 =	sld [smem:$0x3FAE]  }
0x2f: {  	lr =	sadd.s32 s0, s3;
	s0 =	sld [smem:$0x3FA5]  }
0x30: {  	s3 =	sld [smem:$0x3FA8]  }
0x31: {  	[smem:$0x3FB1] =	sst s10  }
0x32: {  	s10 =	sld [smem:$0x3FAF];
	_ =	sdelay $0x3  }
0x33: {  	p0 =	seq.s32 s10, $0x1;
	s10 =	sld [smem:$0x3FB1];
	_ =	sdelay $0x3  }
0x34: {  	[smem:$0x3FB1] =	sst s10  }
0x35: {  	s10 =	sld [smem:$0x3FB0];
	_ =	sdelay $0x3  }
0x36: {  	p1 =	seq.s32 s10, $0x1;
	s10 =	sld [smem:$0x3FB1];
	_ =	sdelay $0x3  }
0x37: {  	[smem:$0x3FB1] =	sst s10  }
0x38: {  	s10 =	sld [smem:$0x3FB2]  }
0x39: {  	_ = 	snop;
	(pc) =	sbr.ind lr, $3  }
0x3a: {  	_ = 	snop  }
0x3b: {  	_ = 	snop  }
0x3c: {  	p2 =	seq.s32 s10, $0x1;
	s10 =	sld [smem:$0x3FB1]  }
0x3d: {  	_ =	shalt  }
0x3e: {  	_ =	shalt  }
0x3f: {  	_ =	shalt  }
0x40: {  	_ =	shalt  }
0x41: {  	_ =	shalt  }
0x42: {  	_ =	shalt  }
0x43: {  	_ =	shalt  }
0x44: {  	_ =	shalt  }
0x45: {  	_ =	shalt  }
0x46: {  	_ =	shalt  }
0x47: {  	_ =	shalt  }
0x48: {  	_ =	shalt  }
0x49: {  	_ =	shalt  }
0x4a: {  	_ =	shalt  }
0x4b: {  	_ =	shalt  }
0x4c: {  	_ =	shalt  }
0x4d: {  	_ =	shalt  }
0x4e: {  	_ =	shalt  }
0x4f: {  	_ =	shalt  }
0x50: {  	_ =	shalt  }
0x51: {  	_ =	shalt  }
0x52: {  	_ =	shalt  }
0x53: {  	_ =	shalt  }
0x54: {  	_ =	shalt  }
0x55: {  	_ =	shalt  }
0x56: {  	_ =	shalt  }
0x57: {  	_ =	shalt  }
0x58: {  	_ =	shalt  }
0x59: {  	_ =	shalt  }
0x5a: {  	_ =	shalt  }
0x5b: {  	_ =	shalt  }
0x5c: {  	_ =	shalt  }
0x5d: {  	_ =	shalt  }
0x5e: {  	_ =	shalt  }
0x5f: {  	_ =	shalt  }
0x60: {  	_ =	shalt  }
0x61: {  	_ =	shalt  }
0x62: {  	_ =	shalt  }
0x63: {  	_ =	shalt  }
0x64: {  	_ =	shalt  }
0x65: {  	_ =	shalt  }
0x66: {  	_ =	shalt  }
0x67: {  	_ =	shalt  }
0x68: {  	_ =	shalt  }
0x69: {  	_ =	shalt  }
0x6a: {  	_ =	shalt  }
0x6b: {  	_ =	shalt  }
0x6c: {  	_ =	shalt  }
0x6d: {  	_ =	shalt  }
0x6e: {  	_ =	shalt  }
0x6f: {  	_ =	shalt  }
0x70: {  	_ =	shalt  }
0x71: {  	_ =	shalt  }
0x72: {  	_ =	shalt  }
0x73: {  	_ =	shalt  }
0x74: {  	_ =	shalt  }
0x75: {  	_ =	shalt  }
0x76: {  	_ =	shalt  }
0x77: {  	_ =	shalt  }
0x78: {  	_ =	shalt  }
0x79: {  	_ =	shalt  }
0x7a: {  	_ =	shalt  }
0x7b: {  	_ =	shalt  }
0x7c: {  	_ =	shalt  }
0x7d: {  	_ =	shalt  }
0x7e: {  	_ =	shalt  }
0x7f: {  	_ =	shalt  }
0x80: {  	_ =	shalt  }
0x81: {  	_ =	shalt  }
0x82: {  	_ =	shalt  }
0x83: {  	_ =	shalt  }
0x84: {  	_ =	shalt  }
0x85: {  	_ =	shalt  }
0x86: {  	_ =	shalt  }
0x87: {  	_ =	shalt  }
.Lfunc_end0:
.L_simem_size_0:
called_computation_lowered:
.L_overlay_start_0:
0x88: {  	s2 =	sld [smem:$0x3FD9]  }
0x89: {  	s3 =	sld [smem:$0x3FFE];
	_ =	sdelay $0x1  }
0x8a: {  	s1 =	srdreg.scid  }
0x8b: {  	s0 =	sand.u32 $0x1, s1  }
0x8c: {  	s17 =	sshll.u32 s0, $0xA;
	s2 =	sadd.s32 s3, s2  }
0x8d: {  	s2 =	sadd.s32 s2, s17  }
0x8e: {  	[smem:$0x3FBD] =	sst s2  }
0x8f: {  	_ = 	snop  }
0x90: {  	s2 =	sld [smem:$0x3FC9];
	(tm) =	ssettm $0x1  }
0x91: {  	s18 =	sld [smem:$0x3FFB];
	_ =	sdelay $0x3  }
0x92: {  	_ =	strace s18  }
0x93: {  	s3 =	sld [smem:$0x3FFC];
	_ =	sdelay $0x3  }
0x94: {  	_ =	strace s3  }
0x95: {  	s3 =	sld [smem:$0x3FFD];
	_ =	sdelay $0x3  }
0x96: {  	_ =	strace s3  }
0x97: {  	_ =	strace $0x8FFFFFFF  }
0x98: {  	s19 =	sld [smem:$0x3FDB];
	_ =	sdelay $0x1  }
0x99: {  	s4 =	simm.s32 $_scs_section_size  }
0x9a: {  	s5 =	simm.s32 $_size__tile_overlayer_lowered;
	s6 =	simm.s32 $_tile_overlayer_lowered  }
0x9b: {  	s22 =	simm.s32 $0x1BFF;
	s21 =	sshll.u32 s6, $0x1;
	s3 =	sadd.s32 s4, s19  }
0x9c: {  	s7 =	simm.s32 $0x0;
	s20 =	sshll.u32 s5, $0x1;
	s5 =	sadd.s32 s21, s3  }
0x9d: {  	[timem:s7], [sflag:s22] =	dma.local [hbm:s5], s20  }
0x9e: {  	_ =	swait.ge [sflag:s22], s20  }
0x9f: {  	s4 =	ssub.s32 $0x0, s20;
	[sflag:s22] =	ssyncset.done $0x0  }
0xa0: {  	[sflag:s22] =	ssyncadd.s32 s4;
	_ =	sdelay $0x1  }
0xa1: {  	s23 =	simm.s32 $0x1B8B  }
0xa2: {  	_ =	swait.ge [sflag:s23], $0x1  }
0xa3: {  	[sflag:s23] =	ssyncset.done $0x0  }
0xa4: {  	s25 =	simm.s32 $0x1B8E;
	s24 =	sld [smem:$0x3FFE];
	[sflag:s23] =	ssyncadd.s32 $0xFFFFFFFF  }
0xa5: {  	s26 =	simm.s32 $execute0_lowered;
	[smem:$0x3FD2] =	sst s25  }
0xa6: {  	s5 =	sshll.u32 s26, $0x1;
	_ =	strace $0x80000046;
	[dreg:$0x1] =	wrdreg $0xFFFFFFFF  }
0xa7: {  	s28 =	simm.s32 $_size_execute0_lowered;
	s3 =	sadd.s32 s3, s5;
	[dreg:$0x0] =	wrdreg $0x0  }
0xa8: {  	s5 =	sshll.u32 s28, $0x1;
	[dreg:$0x2] =	wrdreg s3  }
0xa9: {  	[dreg:$0x3] =	wrdreg s5  }
0xaa: {  	[dreg:$0x4] =	wrdreg $0xC0  }
0xab: {  	_ =	task [dreg:s7], $0x5FFFF  }
0xac: {  	[dreg:$0x1] =	wrdreg $0xFFFFFFFF  }
0xad: {  	[dreg:$0x0] =	wrdreg $0x60  }
0xae: {  	[dreg:$0x2] =	wrdreg s2  }
0xaf: {  	[dreg:$0x3] =	wrdreg s24  }
0xb0: {  	[dreg:$0x4] =	wrdreg $0x41000  }
0xb1: {  	[dreg:$0x5] =	wrdreg $0x9  }
0xb2: {  	_ =	task.clear_ibuf [dreg:s7], $0x6FFFF;
	_ =	strace $0x90000046  }
0xb3: {  	s29 =	simm.s32 $0x9;
	_ =	strace $0x80000048  }
0xb4: {  	_ =	swait.ge [sflag:s29], $0x1  }
0xb5: {  	[sflag:s29] =	ssyncadd.s32 $0xFFFFFFFF  }
0xb6: {  	_ =	strace $0x90000048  }
0xb7: {  	_ =	sfence  }
0xb8: {  	s30 =	sld [smem:$0x0];
	_ =	sdelay $0x2  }
0xb9: {  	s31 =	sshll.u32 s1, $0xD;
	s1 =	sshrl.u32 s1, $0x2  }
0xba: {  	s3 =	sand.u32 $0x4000, s31;
	s1 =	sadd.s32 s1, s30  }
0xbb: {  	s0 =	sor.u32 s3, s0;
	s1 =	sshll.u32 s1, $0x11  }
0xbc: {  	s0 =	sor.u32 s1, s0  }
0xbd: {  	s0 =	sadd.s32 $0x8F2B, s0  }
0xbe: {  	[sflag:s0] =	ssyncadd.remote.s32 $0x1  }
0xbf: {  	_ =	sfence.sel $0xFFFF  }
0xc0: {  	[dreg:$0x0] =	wrdreg $0xFFFFFFFF;
	(pc) =	sbr.abs _section_cstart, $3  }
0xc1: {  	[dreg:$0x1] =	wrdreg $0xFFFFFFFF  }
0xc2: {  	_ =	task.clear_ibuf [dreg:s7], $0x2FFFF;
	_ =	strace $0x9FFFFFFF  }
0xc3: {  	(tm) =	ssettm $0x7FFFFFFF  }
tec
execute0_lowered:
.L_overlay_start_1:
0x0: {  	(tag) =	ssettag $0x1  }
0x1: {  	s2 =	rddreg [dreg:$0x0]  }
0x2: {  	s6 =	rddreg [dreg:$0x1]  }
0x3: {  	s3 =	rddreg [dreg:$0x2]  }
0x4: {  	s0 =	stileid.u32;
	s4 =	srdreg.scid  }
0x5: {  	s1 =	rddreg [dreg:$0x3];
	s13 =	simm.s32 $0x2;
	s14 =	simm.s32 $0x80  }
0x6: {  	s15 =	simm.s32 $0x100;
	s16 =	simm.s32 $0x1;
	s5 =	smul.u32 $0x48, s0  }
0x7: {  	s17 =	simm.s32 $0x0;
	s7 =	sand.u32 $0x1, s4;
	s8 =	smul.u32 $0x58, s0  }
0x8: {  	s9 =	smul.u32 $0x13C00, s0;
	s4 =	simm.s32 $0x0;
	s31 =	sshll.u32 s0, $0x6  }
0x9: {  	p0 =	seq.s32 s7, $0x0;
	s30 =	smul.u32 $0x13C000, s7;
	[smem:$0x7FF] =	sst s4  }
0xa: {  	s7 =	ssub.s32 $0x2, s7;
	s5 =	sadd.s32 $0x580, s5;
	_ =	strace $0x80000047  }
0xb: {  	s10 =	sshrl.u32 s7, $0x1;
	s12 =	sadd.s32 s9, s3;
	s5 =	smov.u32 @p0 s8  }
0xc: {  	s8 =	sadd.s32 s9, s30;
	s10 =	ssub.s32 s7, s10;
	s5 =	sshll.u32 s5, $0x4  }
0xd: {  	s7 =	sor.u32 $0x1C02, s31;
	s8 =	sshrl.u32 s8, $0x3;
	s11 =	sadd.s32 s5, s6  }
0xe: {  	s5 =	sadd.s32 $0x16400, s6;
	s8 =	sadd.s32 s8, s6;
	s6 =	simm.s32 $0x58  }
0xf: {  	s12 =	sshrl.u32 s12, $0x3;
	s9 =	smax.u32 s10, $0x1;
	s6 =	simm.s32 @!p0 $0x48  }
0x10: {  	s8 =	sadd.s32 $0x18C00, s8;
	s10 =	sadd.s32 $0x2400, s11;
	s11 =	sadd.s32 $0xC400, s11  }
.LBB2_1:
0x11: {  	[spmem:s12], [sflag:s7] =	dma.local [hbm:s5], $0x2780  }
0x12: {  	_ =	swait.ge [sflag:s13], $0x2780  }
0x13: {  	[sflag:s13] =	ssyncset.done $0x0  }
0x14: {  	[sflag:s13] =	ssyncadd.s32 $0xFFFFD880  }
0x15: {  	[bflag:$0x0] =	sbarrier.arrive $0xFFFF  }
0x16: {  	[tilespmem:s4], [sflag:$0x2] =	stream.linear.gather [hbm4b:s11+s4], $0x80, $0x38;
	[tilespmem:$0x17D00] =	vst v63  }
0x17: {  	_ =	swait.ge [sflag:s13], $0x80  }
0x18: {  	[sflag:s13] =	ssyncset.done $0x0  }
0x19: {  	[sflag:s13] =	ssyncadd.s32 $0xFFFFFF80  }
0x1a: {  	[tilespmem:s14], [sflag:$0x2] =	stream.linear.gather [hbm4b:s10+s4], $0x80, $0x38;
	[tilespmem:$0x17D00] =	vst v63  }
0x1b: {  	_ =	swait.ge [sflag:s13], $0x80  }
0x1c: {  	[sflag:s13] =	ssyncset.done $0x0  }
0x1d: {  	[sflag:s13] =	ssyncadd.s32 $0xFFFFFF80  }
0x1e: {  	[tilespmem:s15], [sflag:$0x1] =	stream.indirect.gather [hbm4b:s2+s14], $0x80, s4, s14, $0xb8;
	[tilespmem:$0x17D00] =	vst v63  }
0x1f: {  	p0 =	sne.s32 s6, $0x1;
	_ =	swait.ge [sflag:s16], $0x4000  }
.Ltmp0:
0x20: {  	[sflag:s16] =	ssyncset.done $0x0;
	(pc) =	sbr.rel @!p0 .LBB2_3-.Ltmp0, $4  }
0x21: {  	[sflag:s16] =	ssyncadd.s32 $0xFFFFC000  }
0x22: {  	[spmem:s3] =	stream.indirect.scatter.add.f32 [tilespmem:s15], [sflag:$0x2], $0x80, s14, s14, $0xb8;
	[tilespmem:$0x17D00] =	vst v63  }
0x23: {  	s18 =	sadd.s32 $0xFFFFFFFF, s6;
	_ =	swait.ge [sflag:s13], $0x4000  }
0x24: {  	s19 =	smov.u32 s10;
	s20 =	smov.u32 s11;
	[sflag:s13] =	ssyncset.done $0x0  }
.LBB2_2:
0x25: {  	[sflag:s13] =	ssyncadd.s32 $0xFFFFC000;
	s19 =	sadd.s32 $0x10, s19;
	s20 =	sadd.s32 $0x10, s20  }
0x26: {  	[tilespmem:s4], [sflag:$0x2] =	stream.linear.gather [hbm4b:s20+s4], $0x80, $0x38;
	[tilespmem:$0x17D00] =	vst v63  }
0x27: {  	p0 =	sne.s32 s18, $0x1;
	s18 =	sadd.s32 $0xFFFFFFFF, s18;
	_ =	swait.ge [sflag:s13], $0x80  }
0x28: {  	[sflag:s13] =	ssyncset.done $0x0  }
0x29: {  	[sflag:s13] =	ssyncadd.s32 $0xFFFFFF80  }
0x2a: {  	[tilespmem:s14], [sflag:$0x2] =	stream.linear.gather [hbm4b:s19+s4], $0x80, $0x38;
	[tilespmem:$0x17D00] =	vst v63  }
0x2b: {  	_ =	swait.ge [sflag:s13], $0x80  }
0x2c: {  	[sflag:s13] =	ssyncset.done $0x0  }
0x2d: {  	[sflag:s13] =	ssyncadd.s32 $0xFFFFFF80  }
0x2e: {  	[tilespmem:s15], [sflag:$0x1] =	stream.indirect.gather [hbm4b:s2+s14], $0x80, s4, s14, $0xb8;
	[tilespmem:$0x17D00] =	vst v63  }
0x2f: {  	_ =	swait.ge [sflag:s16], $0x4000  }
.Ltmp1:
0x30: {  	[sflag:s16] =	ssyncset.done $0x0;
	(pc) =	sbr.rel @p0 .LBB2_2-.Ltmp1, $4  }
0x31: {  	[sflag:s16] =	ssyncadd.s32 $0xFFFFC000  }
0x32: {  	[spmem:s3] =	stream.indirect.scatter.add.f32 [tilespmem:s15], [sflag:$0x2], $0x80, s14, s14, $0xb8;
	[tilespmem:$0x17D00] =	vst v63  }
0x33: {  	_ =	swait.ge [sflag:s13], $0x4000  }
0x34: {  	[sflag:s13] =	ssyncset.done $0x0  }
.LBB2_3:
0x35: {  	s17 =	sadd.s32 $0x1, s17  }
0x36: {  	[sflag:s13] =	ssyncadd.s32 $0xFFFFC000;
	p0 =	sne.s32 s17, s9  }
.Ltmp2:
0x37: {  	[bflag:$0x0] =	sbarrier.arrive $0xFFFF;
	(pc) =	sbr.rel @p0 .LBB2_1-.Ltmp2, $4  }
0x38: {  	[hbm:s8], [sflag:s7] =	dma.local [spmem:s12], $0x2780  }
0x39: {  	_ =	swait.ge [sflag:s13], $0x2780  }
0x3a: {  	[sflag:s13] =	ssyncset.done $0x0  }
0x3b: {  	[sflag:s13] =	ssyncadd.s32 $0xFFFFD880  }
0x3c: {  	_ =	sfence.sel $0x180000  }
0x3d: {  	[bflag:$0x0] =	sbarrier.arrive $0xFFFF  }
0x3e: {  	p0 =	sne.s32 s0, $0x0;
	_ =	strace $0x90000047  }
0x3f: {  	s0 =	sadd.s32 @!p0 $0x100000, s1;
	[bflag:$0x2] =	sbarrier.arrive $0xFFFF  }
0x40: {  	[sflag:s0] =	ssyncadd.tile.s32 @!p0 $0x1;
	_ =	shalt  }
.Lfunc_end2:
_tile_overlayer_lowered:
.L_overlay_start_2:
0x41: {  	(tag) =	ssettag $0x2  }
0x42: {  	s0 =	rddreg [dreg:$0x0];
	s2 =	stileid.u32  }
0x43: {  	s1 =	rddreg [dreg:$0x1];
	p0 =	sne.s32 s2, $0x0  }
0x44: {  	s3 =	rddreg [dreg:$0x2];
	[bflag:$0x3] =	sbarrier.arrive $0xFFFF;
	s2 =	simm.s32 @!p0 $0x1C02  }
0x45: {  	[timem:s3], [sflag:s2] =	dma.local @!p0 [hbm:s0], s1  }
0x46: {  	s0 =	simm.s32 @!p0 $0x2  }
0x47: {  	_ =	swait.ge @!p0 [sflag:s0], s1  }
0x48: {  	s1 =	ssub.s32 @!p0 $0x0, s1;
	[sflag:s0] =	ssyncset.done @!p0 $0x0  }
0x49: {  	[sflag:s0] =	ssyncadd.s32 @!p0 s1  }
0x4a: {  	[bflag:$0x3] =	sbarrier.arrive $0xFFFF  }
0x4b: {  	_ =	shalt  }

</sc_bundles>
